<compile_context>
chip_gen: v7x
topology: tpu7x:2x2x1
jax: 0.10.2.dev20260603
libtpu: 0.0.44.dev20260713+nightly
codegen_flags: <defaults>
</compile_context>

<pallas_src>
import functools

import jax
import jax.numpy as jnp
from jax import lax
from jax.experimental import pallas as pl
from jax.experimental.pallas import tpu as pltpu
from jax.experimental.pallas import tpu_sc as plsc

NUM_TABLES = 26
VOCAB = 100000
VOCAB_PAD = 100096
D = 16
BATCH = 4096
L = 20

NC = 2
NS = 16
NW = NC * NS
B_PER_W = BATCH // NW
N_CHUNKS = 2 * NUM_TABLES
BAGS_PER_CHUNK = B_PER_W // 2
ROWS_PER_CHUNK = BAGS_PER_CHUNK * L
INV_L = 1.0 / L

_mesh = plsc.VectorSubcoreMesh(core_axis_name="c", subcore_axis_name="s")


def _make_ebag(nt):
    n_chunks = 2 * nt

    @functools.partial(
        pl.kernel,
        mesh=_mesh,
        compiler_params=pltpu.CompilerParams(use_tc_tiling_on_sc=False),
        out_type=jax.ShapeDtypeStruct((BATCH, nt * D), jnp.float32),
        scratch_types=[
            pltpu.VMEM((2, ROWS_PER_CHUNK), jnp.int32),
            pltpu.VMEM((2, ROWS_PER_CHUNK, D), jnp.float32),
            pltpu.VMEM((B_PER_W, nt * D), jnp.float32),
            pltpu.SemaphoreType.DMA,
            pltpu.SemaphoreType.DMA,
            pltpu.SemaphoreType.DMA,
            pltpu.SemaphoreType.DMA,
        ],
    )
    def _ebag(idx_hbm, tab_hbm, out_hbm, idx_v, rows_v, ob_v, g0, g1, i0, i1):
        wid = lax.axis_index("s") * NC + lax.axis_index("c")
        b0 = wid * B_PER_W
        gsem = (g0, g1)
        isem = (i0, i1)

        def idx_ofs(c):
            return (c // 2) * (BATCH * L) + b0 * L + (c % 2) * ROWS_PER_CHUNK

        pltpu.sync_copy(idx_hbm.at[pl.ds(idx_ofs(0), ROWS_PER_CHUNK)],
                        idx_v.at[0])
        pltpu.async_copy(tab_hbm.at[idx_v.at[0]], rows_v.at[0], gsem[0])
        pltpu.async_copy(idx_hbm.at[pl.ds(idx_ofs(1), ROWS_PER_CHUNK)],
                         idx_v.at[1], isem[1])

        def two_chunks(cc, _):
            for b in range(2):
                c = cc + b
                o = b ^ 1

                @pl.when(c + 1 < n_chunks)
                def _():
                    pltpu.make_async_copy(
                        idx_hbm.at[pl.ds(idx_ofs(c + 1), ROWS_PER_CHUNK)],
                        idx_v.at[o], isem[o]).wait()
                    pltpu.async_copy(tab_hbm.at[idx_v.at[o]], rows_v.at[o],
                                     gsem[o])

                pltpu.make_async_copy(tab_hbm.at[idx_v.at[b]], rows_v.at[b],
                                      gsem[b]).wait()

                @pl.when(c + 2 < n_chunks)
                def _():
                    pltpu.async_copy(idx_hbm.at[pl.ds(idx_ofs(c + 2),
                                                      ROWS_PER_CHUNK)],
                                     idx_v.at[b], isem[b])

                d0 = (c // 2) * D
                r0 = b * BAGS_PER_CHUNK

                def bag_step(i, _):
                    base = i * L
                    v = [rows_v[b, base + l, :] for l in range(L)]
                    while len(v) > 1:
                        nxt = [v[j] + v[j + 1]
                               for j in range(0, len(v) - 1, 2)]
                        if len(v) % 2:
                            nxt.append(v[-1])
                        v = nxt
                    ob_v[r0 + i, pl.ds(d0, D)] = v[0] * INV_L
                    return 0

                lax.fori_loop(0, BAGS_PER_CHUNK, bag_step, 0)
            return 0

        lax.fori_loop(0, n_chunks // 2, lambda k, s: two_chunks(2 * k, s), 0)
        pltpu.sync_copy(ob_v, out_hbm.at[pl.ds(b0, B_PER_W)])

    return _ebag


NT_A = 13
NT_B = NUM_TABLES - NT_A
_ebag_a = _make_ebag(NT_A)
_ebag_b = _make_ebag(NT_B)


V_SPLIT = 17
V_CHUNK = VOCAB_PAD // V_SPLIT
O_CHUNK = V_CHUNK // 8


def _detile_body(tin_ref, out_ref):
    x = tin_ref[0]
    y = jnp.transpose(x)
    y4 = y.reshape(O_CHUNK // 8, 8, 8, D) + 0.0
    out_ref[...] = y4.reshape(O_CHUNK, 8 * D)


def _to_rows(tin, t0, nt):
    return pl.pallas_call(
        _detile_body,
        grid=(nt, V_SPLIT),
        in_specs=[pl.BlockSpec((1, D, V_CHUNK), lambda t, j: (t0 + t, 0, j))],
        out_specs=pl.BlockSpec((O_CHUNK, 8 * D),
                               lambda t, j: (t * V_SPLIT + j, 0)),
        out_shape=jax.ShapeDtypeStruct((nt * VOCAB_PAD // 8, 8 * D),
                                       jnp.float32),
    )(tin)


def kernel(indices, offsets, tables):
    del offsets
    tin = jnp.swapaxes(tables, 1, 2)
    adj = indices + (indices // VOCAB) * (VOCAB_PAD - VOCAB)
    n_a = NT_A * BATCH * L
    adj_a = adj[:n_a]
    adj_b = adj[n_a:] - NT_A * VOCAB_PAD
    flat_a = _to_rows(tin, 0, NT_A).reshape(NT_A * VOCAB_PAD, D)
    out_a = _ebag_a(adj_a, flat_a)
    flat_b = _to_rows(tin, NT_A, NT_B).reshape(NT_B * VOCAB_PAD, D)
    out_b = _ebag_b(adj_b, flat_b)
    return jnp.concatenate([out_a, out_b], axis=1)

# --- scband reference (transcript-rebuilt; emitter-appended) ---
"""Pipeline reference for scband-parallel-freq-aware-embedding-bag-tablewise-33131377721825 (READ-ONLY COPY).

The authoritative reference and input builder live on the scoring server;
editing this copy changes nothing except your own understanding.
"""

import jax, jax.numpy as jnp
import numpy as np

NUM_TABLES = 26
VOCAB = 100000
EMBED_DIM = 16
BATCH = 4096
L = 20


def setup_inputs(seed: int = 0) -> dict:
    key = jax.random.key(seed)
    k1, k2 = jax.random.split(key)
    # local (per-table) indices in [0, VOCAB), then shifted to global id space
    local_idx = jax.random.randint(k1, (NUM_TABLES * BATCH * L,), 0, VOCAB, dtype=jnp.int32)
    table_base = jnp.repeat(jnp.arange(NUM_TABLES, dtype=jnp.int32) * VOCAB, BATCH * L)
    indices = local_idx + table_base
    # uniform bag size L -> offsets are arange * L, concatenated over tables
    offsets = jnp.arange(NUM_TABLES * BATCH, dtype=jnp.int32) * L
    # one embedding table per field (stacked since all share num_embeddings)
    tables = jax.random.normal(k2, (NUM_TABLES, VOCAB, EMBED_DIM), dtype=jnp.float32) * 0.01
    return {"indices": indices, "offsets": offsets, "tables": tables}


def _embedding_bag_mean(weight, local_indices, local_offsets, batch):
    # EmbeddingBag(mode='mean'): gather rows then mean-reduce per bag
    n = local_indices.shape[0]
    emb = jnp.take(weight, local_indices, axis=0)  # [n, D] gather
    seg_ids = jnp.searchsorted(local_offsets, jnp.arange(n, dtype=local_offsets.dtype), side='right') - 1
    summed = jax.ops.segment_sum(emb, seg_ids, num_segments=batch)
    lengths = jnp.diff(jnp.concatenate([local_offsets, jnp.array([n], dtype=local_offsets.dtype)]))
    return summed / jnp.maximum(lengths, 1).astype(summed.dtype)[:, None]


def reference(indices, offsets, tables):
    # world_size == 1: this rank is assigned all 26 tables and the dual
    # all-to-all is the identity, so the forward reduces to per-table
    # EmbeddingBag lookups concatenated along the feature dimension.
    batch = offsets.shape[0] // NUM_TABLES
    per_table = batch * L
    outs = []
    for t in range(NUM_TABLES):
        start = t * per_table
        end = (t + 1) * per_table
        local_indices = indices[start:end] - t * VOCAB  # subtract global table offset
        local_offsets = offsets[t * batch:(t + 1) * batch] - offsets[t * batch]
        outs.append(_embedding_bag_mean(tables[t], local_indices, local_offsets, batch))
    local_output = jnp.concatenate(outs, axis=1)  # [batch, NUM_TABLES * EMBED_DIM]
    return local_output

if __name__ == "__main__":
    import jax
    _d = setup_inputs()
    print(jax.jit(kernel)(*tuple(_d.values())))

</pallas_src>

<mosaic_0001>
#map = affine_map<(d0, d1) -> (0)>
#map1 = affine_map<(d0, d1) -> (0, 0)>
module attributes {stable_mosaic.version = 14 : i64} {
  func.func @_ebag(%arg0: i32, %arg1: i32, %arg2: memref<1064960xi32, #tpu.memory_space<hbm>>, %arg3: memref<1301248x16xf32, #tpu.memory_space<hbm>>, %arg4: memref<4096x208xf32, #tpu.memory_space<hbm>>, %arg5: memref<2x1280xi32, #tpu.memory_space<vmem>>, %arg6: memref<2x1280x16xf32, #tpu.memory_space<vmem>>, %arg7: memref<128x208xf32, #tpu.memory_space<vmem>>, %arg8: memref<!tpu.dma_semaphore, #tpu.memory_space<semaphore_mem>>, %arg9: memref<!tpu.dma_semaphore, #tpu.memory_space<semaphore_mem>>, %arg10: memref<!tpu.dma_semaphore, #tpu.memory_space<semaphore_mem>>, %arg11: memref<!tpu.dma_semaphore, #tpu.memory_space<semaphore_mem>>) attributes {dimension_semantics = [#tpu.dimension_semantics<core_parallel>, #tpu.dimension_semantics<subcore_parallel>], iteration_bounds = array<i64: 2, 16>, scalar_prefetch = 0 : i64, scratch_operands = 7 : i64, tpu.core_type = #tpu.core_type<sc_vector_subcore>, window_params = [{transform_indices = #map}, {transform_indices = #map1}, {transform_indices = #map1}]} {
    %mul3A = arith.constant 2 : i32
    %mul3A_0 = arith.muli %arg1, %mul3A : i32
    %add3A = arith.addi %mul3A_0, %arg0 : i32
    %mul3A_1 = arith.constant 128 : i32
    %mul3A_2 = arith.muli %add3A, %mul3A_1 : i32
    %mul3A_3 = arith.constant 20 : i32
    %mul3A_4 = arith.muli %mul3A_2, %mul3A_3 : i32
    %add3A_5 = arith.constant 0 : i32
    %add3A_6 = arith.addi %add3A_5, %mul3A_4 : i32
    %add3A_7 = arith.constant 0 : i32
    %add3A_8 = arith.addi %add3A_6, %add3A_7 : i32
    %run_scoped3A = arith.constant 0 : i32
    "tpu.region"() ({
      %run_scoped3A_41 = tpu.sem_alloc : memref<!tpu.dma_semaphore, #tpu.memory_space<semaphore_mem>>
      %dma_start3A_42 = arith.constant 0 : i32
      %dma_start3A_43 = tpu.memref_slice %arg5[%run_scoped3A, %dma_start3A_42] : memref<2x1280xi32, #tpu.memory_space<vmem>> -> memref<1x1280xi32, #tpu.memory_space<vmem>>
      %dma_start3A_44 = tpu.memref_squeeze %dma_start3A_43 : memref<1x1280xi32, #tpu.memory_space<vmem>> -> memref<1280xi32, #tpu.memory_space<vmem>>
      %dma_start3A_45 = tpu.memref_slice %arg2[%add3A_8] : memref<1064960xi32, #tpu.memory_space<hbm>> -> memref<1280xi32, #tpu.memory_space<hbm>>
      %dma_start3A_46 = arith.constant 0 : i32
      %dma_start3A_47 = tpu.memref_slice %arg5[%run_scoped3A, %dma_start3A_46] : memref<2x1280xi32, #tpu.memory_space<vmem>> -> memref<1x1280xi32, #tpu.memory_space<vmem>>
      %dma_start3A_48 = tpu.memref_squeeze %dma_start3A_47 : memref<1x1280xi32, #tpu.memory_space<vmem>> -> memref<1280xi32, #tpu.memory_space<vmem>>
      %dma_start3A_49 = tpu.memref_slice %arg2[%add3A_8] : memref<1064960xi32, #tpu.memory_space<hbm>> -> memref<1280xi32, #tpu.memory_space<hbm>>
      tpu.enqueue_dma source(%dma_start3A_49 : memref<1280xi32, #tpu.memory_space<hbm>>) target(%dma_start3A_48 : memref<1280xi32, #tpu.memory_space<vmem>>) target_semaphore(%run_scoped3A_41 : memref<!tpu.dma_semaphore, #tpu.memory_space<semaphore_mem>>)
      %dma_wait3A = arith.constant 0 : i32
      %dma_wait3A_50 = tpu.memref_slice %arg5[%run_scoped3A, %dma_wait3A] : memref<2x1280xi32, #tpu.memory_space<vmem>> -> memref<1x1280xi32, #tpu.memory_space<vmem>>
      %dma_wait3A_51 = tpu.memref_squeeze %dma_wait3A_50 : memref<1x1280xi32, #tpu.memory_space<vmem>> -> memref<1280xi32, #tpu.memory_space<vmem>>
      %dma_wait3A_52 = tpu.memref_slice %arg2[%add3A_8] : memref<1064960xi32, #tpu.memory_space<hbm>> -> memref<1280xi32, #tpu.memory_space<hbm>>
      %dma_wait3A_53 = arith.constant 0 : i32
      %dma_wait3A_54 = tpu.memref_slice %arg5[%run_scoped3A, %dma_wait3A_53] : memref<2x1280xi32, #tpu.memory_space<vmem>> -> memref<1x1280xi32, #tpu.memory_space<vmem>>
      %dma_wait3A_55 = tpu.memref_squeeze %dma_wait3A_54 : memref<1x1280xi32, #tpu.memory_space<vmem>> -> memref<1280xi32, #tpu.memory_space<vmem>>
      %dma_wait3A_56 = tpu.memref_slice %arg2[%add3A_8] : memref<1064960xi32, #tpu.memory_space<hbm>> -> memref<1280xi32, #tpu.memory_space<hbm>>
      tpu.wait_dma2 semaphore(%run_scoped3A_41 : memref<!tpu.dma_semaphore, #tpu.memory_space<semaphore_mem>>) src(%dma_wait3A_56 : memref<1280xi32, #tpu.memory_space<hbm>>) dst(%dma_wait3A_55 : memref<1280xi32, #tpu.memory_space<vmem>>)
      tpu.yield
    }) : () -> ()
    %dma_start3A = arith.constant 0 : i32
    %dma_start3A_9 = arith.constant 0 : i32
    %dma_start3A_10 = arith.constant 0 : i32
    %dma_start3A_11 = arith.constant 0 : i32
    %dma_start3A_12 = tpu.memref_slice %arg6[%dma_start3A_9, %dma_start3A_10, %dma_start3A_11] : memref<2x1280x16xf32, #tpu.memory_space<vmem>> -> memref<1x1280x16xf32, #tpu.memory_space<vmem>>
    %dma_start3A_13 = tpu.memref_squeeze %dma_start3A_12 : memref<1x1280x16xf32, #tpu.memory_space<vmem>> -> memref<1280x16xf32, #tpu.memory_space<vmem>>
    %dma_start3A_14 = arith.constant 0 : i32
    %dma_start3A_15 = tpu.memref_slice %arg5[%dma_start3A, %dma_start3A_14] : memref<2x1280xi32, #tpu.memory_space<vmem>> -> memref<1x1280xi32, #tpu.memory_space<vmem>>
    %dma_start3A_16 = tpu.memref_squeeze %dma_start3A_15 : memref<1x1280xi32, #tpu.memory_space<vmem>> -> memref<1280xi32, #tpu.memory_space<vmem>>
    %dma_start3A_17 = arith.constant 0 : i32
    %dma_start3A_18 = arith.constant 0 : i32
    %dma_start3A_19 = tpu.memref_slice %arg3[%dma_start3A_17, %dma_start3A_18] : memref<1301248x16xf32, #tpu.memory_space<hbm>> -> memref<1301248x16xf32, #tpu.memory_space<hbm>>
    tpu.enqueue_indirect_dma source(%dma_start3A_19 : memref<1301248x16xf32, #tpu.memory_space<hbm>>) target(%dma_start3A_13 : memref<1280x16xf32, #tpu.memory_space<vmem>>) offsets(%dma_start3A_16 : memref<1280xi32, #tpu.memory_space<vmem>>) semaphore(%arg8 : memref<!tpu.dma_semaphore, #tpu.memory_space<semaphore_mem>>)
    %mul3A_20 = arith.constant 20 : i32
    %mul3A_21 = arith.muli %mul3A_2, %mul3A_20 : i32
    %add3A_22 = arith.constant 0 : i32
    %add3A_23 = arith.addi %add3A_22, %mul3A_21 : i32
    %add3A_24 = arith.constant 1280 : i32
    %add3A_25 = arith.addi %add3A_23, %add3A_24 : i32
    %dma_start3A_26 = arith.constant 1 : i32
    %dma_start3A_27 = arith.constant 0 : i32
    %dma_start3A_28 = tpu.memref_slice %arg5[%dma_start3A_26, %dma_start3A_27] : memref<2x1280xi32, #tpu.memory_space<vmem>> -> memref<1x1280xi32, #tpu.memory_space<vmem>>
    %dma_start3A_29 = tpu.memref_squeeze %dma_start3A_28 : memref<1x1280xi32, #tpu.memory_space<vmem>> -> memref<1280xi32, #tpu.memory_space<vmem>>
    %dma_start3A_30 = tpu.memref_slice %arg2[%add3A_25] : memref<1064960xi32, #tpu.memory_space<hbm>> -> memref<1280xi32, #tpu.memory_space<hbm>>
    %dma_start3A_31 = arith.constant 0 : i32
    %dma_start3A_32 = tpu.memref_slice %arg5[%dma_start3A_26, %dma_start3A_31] : memref<2x1280xi32, #tpu.memory_space<vmem>> -> memref<1x1280xi32, #tpu.memory_space<vmem>>
    %dma_start3A_33 = tpu.memref_squeeze %dma_start3A_32 : memref<1x1280xi32, #tpu.memory_space<vmem>> -> memref<1280xi32, #tpu.memory_space<vmem>>
    %dma_start3A_34 = tpu.memref_slice %arg2[%add3A_25] : memref<1064960xi32, #tpu.memory_space<hbm>> -> memref<1280xi32, #tpu.memory_space<hbm>>
    tpu.enqueue_dma source(%dma_start3A_34 : memref<1280xi32, #tpu.memory_space<hbm>>) target(%dma_start3A_33 : memref<1280xi32, #tpu.memory_space<vmem>>) target_semaphore(%arg11 : memref<!tpu.dma_semaphore, #tpu.memory_space<semaphore_mem>>)
    %scan3A = arith.constant 0 : i32
    %scan3A_35 = arith.constant 0 : i32
    %scan3A_36 = arith.constant 13 : i32
    %scan3A_37 = arith.addi %scan3A_35, %scan3A_36 : i32
    %scan3A_38 = arith.constant 1 : i32
    %scan3A_39 = scf.for %scan3A_41 = %scan3A_35 to %scan3A_37 step %scan3A_38 iter_args(%scan3A_42 = %scan3A) -> (i32)  : i32 {
      %mul3A_43 = arith.constant 2 : i32
      %mul3A_44 = arith.muli %mul3A_43, %scan3A_41 : i32
      %add3A_45 = arith.constant 0 : i32
      %add3A_46 = arith.addi %mul3A_44, %add3A_45 : i32
      %add3A_47 = arith.constant 1 : i32
      %add3A_48 = arith.addi %add3A_46, %add3A_47 : i32
      %lt3A = arith.constant 26 : i32
      %lt3A_49 = arith.cmpi slt, %add3A_48, %lt3A : i32
      %convert_element_type3A = arith.extui %lt3A_49 : i1 to i32
      %cond3A = arith.constant 0 : i32
      %cond3A_50 = arith.cmpi ne, %convert_element_type3A, %cond3A : i32
      scf.if %cond3A_50 {
        %add3A_156 = arith.constant 1 : i32
        %add3A_157 = arith.addi %add3A_46, %add3A_156 : i32
        %jit3A_158 = arith.constant 2 : i32
        %div3A_159 = arith.divsi %add3A_157, %jit3A_158 : i32
        %sign3A_160 = arith.constant 0 : i32
        %sign3A_161 = arith.cmpi sgt, %add3A_157, %sign3A_160 : i32
        %sign3A_162 = arith.extui %sign3A_161 : i1 to i32
        %sign3A_163 = arith.constant 0 : i32
        %sign3A_164 = arith.cmpi slt, %add3A_157, %sign3A_163 : i32
        %sign3A_165 = arith.extui %sign3A_164 : i1 to i32
        %sign3A_166 = arith.subi %sign3A_162, %sign3A_165 : i32
        %sign3A_167 = arith.constant 0 : i32
        %sign3A_168 = arith.cmpi sgt, %jit3A_158, %sign3A_167 : i32
        %sign3A_169 = arith.extui %sign3A_168 : i1 to i32
        %sign3A_170 = arith.constant 0 : i32
        %sign3A_171 = arith.cmpi slt, %jit3A_158, %sign3A_170 : i32
        %sign3A_172 = arith.extui %sign3A_171 : i1 to i32
        %sign3A_173 = arith.subi %sign3A_169, %sign3A_172 : i32
        %ne3A_174 = arith.cmpi ne, %sign3A_166, %sign3A_173 : i32
        %rem3A_175 = arith.remsi %add3A_157, %jit3A_158 : i32
        %ne3A_176 = arith.constant 0 : i32
        %ne3A_177 = arith.cmpi ne, %rem3A_175, %ne3A_176 : i32
        %and3A_178 = arith.andi %ne3A_174, %ne3A_177 : i1
        %sub3A_179 = arith.constant 1 : i32
        %sub3A_180 = arith.subi %div3A_159, %sub3A_179 : i32
        %select_n3A_181 = arith.select %and3A_178, %sub3A_180, %div3A_159 : i32
        %mul3A_182 = arith.constant 81920 : i32
        %mul3A_183 = arith.muli %select_n3A_181, %mul3A_182 : i32
        %mul3A_184 = arith.constant 20 : i32
        %mul3A_185 = arith.muli %mul3A_2, %mul3A_184 : i32
        %add3A_186 = arith.addi %mul3A_183, %mul3A_185 : i32
        %jit3A_187 = arith.constant 2 : i32
        %eq3A = arith.constant 0 : i32
        %eq3A_188 = arith.cmpi eq, %jit3A_187, %eq3A : i32
        %jit3A_189 = arith.constant 1 : i32
        %select_n3A_190 = arith.select %eq3A_188, %jit3A_189, %jit3A_187 : i32
        %rem3A_191 = arith.remsi %add3A_157, %select_n3A_190 : i32
        %ne3A_192 = arith.constant 0 : i32
        %ne3A_193 = arith.cmpi ne, %rem3A_191, %ne3A_192 : i32
        %lt3A_194 = arith.constant 0 : i32
        %lt3A_195 = arith.cmpi slt, %rem3A_191, %lt3A_194 : i32
        %lt3A_196 = arith.constant 0 : i32
        %lt3A_197 = arith.cmpi slt, %select_n3A_190, %lt3A_196 : i32
        %ne3A_198 = arith.xori %lt3A_195, %lt3A_197 : i1
        %and3A_199 = arith.andi %ne3A_198, %ne3A_193 : i1
        %add3A_200 = arith.addi %rem3A_191, %select_n3A_190 : i32
        %select_n3A_201 = arith.select %and3A_199, %add3A_200, %rem3A_191 : i32
        %mul3A_202 = arith.constant 1280 : i32
        %mul3A_203 = arith.muli %select_n3A_201, %mul3A_202 : i32
        %add3A_204 = arith.addi %add3A_186, %mul3A_203 : i32
        %dma_wait3A_205 = arith.constant 1 : i32
        %dma_wait3A_206 = arith.constant 0 : i32
        %dma_wait3A_207 = tpu.memref_slice %arg5[%dma_wait3A_205, %dma_wait3A_206] : memref<2x1280xi32, #tpu.memory_space<vmem>> -> memref<1x1280xi32, #tpu.memory_space<vmem>>
        %dma_wait3A_208 = tpu.memref_squeeze %dma_wait3A_207 : memref<1x1280xi32, #tpu.memory_space<vmem>> -> memref<1280xi32, #tpu.memory_space<vmem>>
        %dma_wait3A_209 = tpu.memref_slice %arg2[%add3A_204] : memref<1064960xi32, #tpu.memory_space<hbm>> -> memref<1280xi32, #tpu.memory_space<hbm>>
        %dma_wait3A_210 = arith.constant 0 : i32
        %dma_wait3A_211 = tpu.memref_slice %arg5[%dma_wait3A_205, %dma_wait3A_210] : memref<2x1280xi32, #tpu.memory_space<vmem>> -> memref<1x1280xi32, #tpu.memory_space<vmem>>
        %dma_wait3A_212 = tpu.memref_squeeze %dma_wait3A_211 : memref<1x1280xi32, #tpu.memory_space<vmem>> -> memref<1280xi32, #tpu.memory_space<vmem>>
        %dma_wait3A_213 = tpu.memref_slice %arg2[%add3A_204] : memref<1064960xi32, #tpu.memory_space<hbm>> -> memref<1280xi32, #tpu.memory_space<hbm>>
        tpu.wait_dma2 semaphore(%arg11 : memref<!tpu.dma_semaphore, #tpu.memory_space<semaphore_mem>>) src(%dma_wait3A_213 : memref<1280xi32, #tpu.memory_space<hbm>>) dst(%dma_wait3A_212 : memref<1280xi32, #tpu.memory_space<vmem>>)
        %dma_start3A_214 = arith.constant 1 : i32
        %dma_start3A_215 = arith.constant 1 : i32
        %dma_start3A_216 = arith.constant 0 : i32
        %dma_start3A_217 = arith.constant 0 : i32
        %dma_start3A_218 = tpu.memref_slice %arg6[%dma_start3A_215, %dma_start3A_216, %dma_start3A_217] : memref<2x1280x16xf32, #tpu.memory_space<vmem>> -> memref<1x1280x16xf32, #tpu.memory_space<vmem>>
        %dma_start3A_219 = tpu.memref_squeeze %dma_start3A_218 : memref<1x1280x16xf32, #tpu.memory_space<vmem>> -> memref<1280x16xf32, #tpu.memory_space<vmem>>
        %dma_start3A_220 = arith.constant 0 : i32
        %dma_start3A_221 = tpu.memref_slice %arg5[%dma_start3A_214, %dma_start3A_220] : memref<2x1280xi32, #tpu.memory_space<vmem>> -> memref<1x1280xi32, #tpu.memory_space<vmem>>
        %dma_start3A_222 = tpu.memref_squeeze %dma_start3A_221 : memref<1x1280xi32, #tpu.memory_space<vmem>> -> memref<1280xi32, #tpu.memory_space<vmem>>
        %dma_start3A_223 = arith.constant 0 : i32
        %dma_start3A_224 = arith.constant 0 : i32
        %dma_start3A_225 = tpu.memref_slice %arg3[%dma_start3A_223, %dma_start3A_224] : memref<1301248x16xf32, #tpu.memory_space<hbm>> -> memref<1301248x16xf32, #tpu.memory_space<hbm>>
        tpu.enqueue_indirect_dma source(%dma_start3A_225 : memref<1301248x16xf32, #tpu.memory_space<hbm>>) target(%dma_start3A_219 : memref<1280x16xf32, #tpu.memory_space<vmem>>) offsets(%dma_start3A_222 : memref<1280xi32, #tpu.memory_space<vmem>>) semaphore(%arg9 : memref<!tpu.dma_semaphore, #tpu.memory_space<semaphore_mem>>)
      } else {
      }
      %dma_wait3A = arith.constant 0 : i32
      %dma_wait3A_51 = arith.constant 0 : i32
      %dma_wait3A_52 = arith.constant 0 : i32
      %dma_wait3A_53 = arith.constant 0 : i32
      %dma_wait3A_54 = tpu.memref_slice %arg6[%dma_wait3A_51, %dma_wait3A_52, %dma_wait3A_53] : memref<2x1280x16xf32, #tpu.memory_space<vmem>> -> memref<1x1280x16xf32, #tpu.memory_space<vmem>>
      %dma_wait3A_55 = tpu.memref_squeeze %dma_wait3A_54 : memref<1x1280x16xf32, #tpu.memory_space<vmem>> -> memref<1280x16xf32, #tpu.memory_space<vmem>>
      %dma_wait3A_56 = arith.constant 0 : i32
      %dma_wait3A_57 = tpu.memref_slice %arg5[%dma_wait3A, %dma_wait3A_56] : memref<2x1280xi32, #tpu.memory_space<vmem>> -> memref<1x1280xi32, #tpu.memory_space<vmem>>
      %dma_wait3A_58 = tpu.memref_squeeze %dma_wait3A_57 : memref<1x1280xi32, #tpu.memory_space<vmem>> -> memref<1280xi32, #tpu.memory_space<vmem>>
      %dma_wait3A_59 = arith.constant 0 : i32
      %dma_wait3A_60 = arith.constant 0 : i32
      %dma_wait3A_61 = tpu.memref_slice %arg3[%dma_wait3A_59, %dma_wait3A_60] : memref<1301248x16xf32, #tpu.memory_space<hbm>> -> memref<1301248x16xf32, #tpu.memory_space<hbm>>
      tpu.wait_indirect_dma semaphore(%arg8 : memref<!tpu.dma_semaphore, #tpu.memory_space<semaphore_mem>>) src(%dma_wait3A_61 : memref<1301248x16xf32, #tpu.memory_space<hbm>>) dst(%dma_wait3A_55 : memref<1280x16xf32, #tpu.memory_space<vmem>>)
      %add3A_62 = arith.constant 2 : i32
      %add3A_63 = arith.addi %add3A_46, %add3A_62 : i32
      %lt3A_64 = arith.constant 26 : i32
      %lt3A_65 = arith.cmpi slt, %add3A_63, %lt3A_64 : i32
      %convert_element_type3A_66 = arith.extui %lt3A_65 : i1 to i32
      %cond3A_67 = arith.constant 0 : i32
      %cond3A_68 = arith.cmpi ne, %convert_element_type3A_66, %cond3A_67 : i32
      scf.if %cond3A_68 {
        %add3A_156 = arith.constant 2 : i32
        %add3A_157 = arith.addi %add3A_46, %add3A_156 : i32
        %jit3A_158 = arith.constant 2 : i32
        %div3A_159 = arith.divsi %add3A_157, %jit3A_158 : i32
        %sign3A_160 = arith.constant 0 : i32
        %sign3A_161 = arith.cmpi sgt, %add3A_157, %sign3A_160 : i32
        %sign3A_162 = arith.extui %sign3A_161 : i1 to i32
        %sign3A_163 = arith.constant 0 : i32
        %sign3A_164 = arith.cmpi slt, %add3A_157, %sign3A_163 : i32
        %sign3A_165 = arith.extui %sign3A_164 : i1 to i32
        %sign3A_166 = arith.subi %sign3A_162, %sign3A_165 : i32
        %sign3A_167 = arith.constant 0 : i32
        %sign3A_168 = arith.cmpi sgt, %jit3A_158, %sign3A_167 : i32
        %sign3A_169 = arith.extui %sign3A_168 : i1 to i32
        %sign3A_170 = arith.constant 0 : i32
        %sign3A_171 = arith.cmpi slt, %jit3A_158, %sign3A_170 : i32
        %sign3A_172 = arith.extui %sign3A_171 : i1 to i32
        %sign3A_173 = arith.subi %sign3A_169, %sign3A_172 : i32
        %ne3A_174 = arith.cmpi ne, %sign3A_166, %sign3A_173 : i32
        %rem3A_175 = arith.remsi %add3A_157, %jit3A_158 : i32
        %ne3A_176 = arith.constant 0 : i32
        %ne3A_177 = arith.cmpi ne, %rem3A_175, %ne3A_176 : i32
        %and3A_178 = arith.andi %ne3A_174, %ne3A_177 : i1
        %sub3A_179 = arith.constant 1 : i32
        %sub3A_180 = arith.subi %div3A_159, %sub3A_179 : i32
        %select_n3A_181 = arith.select %and3A_178, %sub3A_180, %div3A_159 : i32
        %mul3A_182 = arith.constant 81920 : i32
        %mul3A_183 = arith.muli %select_n3A_181, %mul3A_182 : i32
        %mul3A_184 = arith.constant 20 : i32
        %mul3A_185 = arith.muli %mul3A_2, %mul3A_184 : i32
        %add3A_186 = arith.addi %mul3A_183, %mul3A_185 : i32
        %jit3A_187 = arith.constant 2 : i32
        %eq3A = arith.constant 0 : i32
        %eq3A_188 = arith.cmpi eq, %jit3A_187, %eq3A : i32
        %jit3A_189 = arith.constant 1 : i32
        %select_n3A_190 = arith.select %eq3A_188, %jit3A_189, %jit3A_187 : i32
        %rem3A_191 = arith.remsi %add3A_157, %select_n3A_190 : i32
        %ne3A_192 = arith.constant 0 : i32
        %ne3A_193 = arith.cmpi ne, %rem3A_191, %ne3A_192 : i32
        %lt3A_194 = arith.constant 0 : i32
        %lt3A_195 = arith.cmpi slt, %rem3A_191, %lt3A_194 : i32
        %lt3A_196 = arith.constant 0 : i32
        %lt3A_197 = arith.cmpi slt, %select_n3A_190, %lt3A_196 : i32
        %ne3A_198 = arith.xori %lt3A_195, %lt3A_197 : i1
        %and3A_199 = arith.andi %ne3A_198, %ne3A_193 : i1
        %add3A_200 = arith.addi %rem3A_191, %select_n3A_190 : i32
        %select_n3A_201 = arith.select %and3A_199, %add3A_200, %rem3A_191 : i32
        %mul3A_202 = arith.constant 1280 : i32
        %mul3A_203 = arith.muli %select_n3A_201, %mul3A_202 : i32
        %add3A_204 = arith.addi %add3A_186, %mul3A_203 : i32
        %dma_start3A_205 = arith.constant 0 : i32
        %dma_start3A_206 = arith.constant 0 : i32
        %dma_start3A_207 = tpu.memref_slice %arg5[%dma_start3A_205, %dma_start3A_206] : memref<2x1280xi32, #tpu.memory_space<vmem>> -> memref<1x1280xi32, #tpu.memory_space<vmem>>
        %dma_start3A_208 = tpu.memref_squeeze %dma_start3A_207 : memref<1x1280xi32, #tpu.memory_space<vmem>> -> memref<1280xi32, #tpu.memory_space<vmem>>
        %dma_start3A_209 = tpu.memref_slice %arg2[%add3A_204] : memref<1064960xi32, #tpu.memory_space<hbm>> -> memref<1280xi32, #tpu.memory_space<hbm>>
        %dma_start3A_210 = arith.constant 0 : i32
        %dma_start3A_211 = tpu.memref_slice %arg5[%dma_start3A_205, %dma_start3A_210] : memref<2x1280xi32, #tpu.memory_space<vmem>> -> memref<1x1280xi32, #tpu.memory_space<vmem>>
        %dma_start3A_212 = tpu.memref_squeeze %dma_start3A_211 : memref<1x1280xi32, #tpu.memory_space<vmem>> -> memref<1280xi32, #tpu.memory_space<vmem>>
        %dma_start3A_213 = tpu.memref_slice %arg2[%add3A_204] : memref<1064960xi32, #tpu.memory_space<hbm>> -> memref<1280xi32, #tpu.memory_space<hbm>>
        tpu.enqueue_dma source(%dma_start3A_213 : memref<1280xi32, #tpu.memory_space<hbm>>) target(%dma_start3A_212 : memref<1280xi32, #tpu.memory_space<vmem>>) target_semaphore(%arg10 : memref<!tpu.dma_semaphore, #tpu.memory_space<semaphore_mem>>)
      } else {
      }
      %jit3A = arith.constant 2 : i32
      %div3A = arith.divsi %add3A_46, %jit3A : i32
      %sign3A = arith.constant 0 : i32
      %sign3A_69 = arith.cmpi sgt, %add3A_46, %sign3A : i32
      %sign3A_70 = arith.extui %sign3A_69 : i1 to i32
      %sign3A_71 = arith.constant 0 : i32
      %sign3A_72 = arith.cmpi slt, %add3A_46, %sign3A_71 : i32
      %sign3A_73 = arith.extui %sign3A_72 : i1 to i32
      %sign3A_74 = arith.subi %sign3A_70, %sign3A_73 : i32
      %sign3A_75 = arith.constant 0 : i32
      %sign3A_76 = arith.cmpi sgt, %jit3A, %sign3A_75 : i32
      %sign3A_77 = arith.extui %sign3A_76 : i1 to i32
      %sign3A_78 = arith.constant 0 : i32
      %sign3A_79 = arith.cmpi slt, %jit3A, %sign3A_78 : i32
      %sign3A_80 = arith.extui %sign3A_79 : i1 to i32
      %sign3A_81 = arith.subi %sign3A_77, %sign3A_80 : i32
      %ne3A = arith.cmpi ne, %sign3A_74, %sign3A_81 : i32
      %rem3A = arith.remsi %add3A_46, %jit3A : i32
      %ne3A_82 = arith.constant 0 : i32
      %ne3A_83 = arith.cmpi ne, %rem3A, %ne3A_82 : i32
      %and3A = arith.andi %ne3A, %ne3A_83 : i1
      %sub3A = arith.constant 1 : i32
      %sub3A_84 = arith.subi %div3A, %sub3A : i32
      %select_n3A = arith.select %and3A, %sub3A_84, %div3A : i32
      %mul3A_85 = arith.constant 16 : i32
      %mul3A_86 = arith.muli %select_n3A, %mul3A_85 : i32
      %scan3A_87 = arith.constant 0 : i32
      %scan3A_88 = arith.constant 0 : i32
      %scan3A_89 = arith.constant 64 : i32
      %scan3A_90 = arith.addi %scan3A_88, %scan3A_89 : i32
      %scan3A_91 = arith.constant 1 : i32
      %scan3A_92 = scf.for %scan3A_156 = %scan3A_88 to %scan3A_90 step %scan3A_91 iter_args(%scan3A_157 = %scan3A_87) -> (i32)  : i32 {
        %mul3A_158 = arith.constant 20 : i32
        %mul3A_159 = arith.muli %scan3A_156, %mul3A_158 : i32
        %add3A_160 = arith.constant 0 : i32
        %add3A_161 = arith.addi %mul3A_159, %add3A_160 : i32
        %get3A = arith.constant 0 : i32
        %get3A_162 = arith.index_cast %get3A : i32 to index
        %get3A_163 = arith.index_cast %add3A_161 : i32 to index
        %get3A_164 = arith.constant 0 : index
        %get3A_165 = tpu.vector_load %arg6[%get3A_162, %get3A_163, %get3A_164] {strides = array<i32>} : memref<2x1280x16xf32, #tpu.memory_space<vmem>>, vector<1x1x16xf32>,
        %get3A_166 = vector.shape_cast %get3A_165 : vector<1x1x16xf32> to vector<16xf32>
        %add3A_167 = arith.constant 1 : i32
        %add3A_168 = arith.addi %mul3A_159, %add3A_167 : i32
        %get3A_169 = arith.constant 0 : i32
        %get3A_170 = arith.index_cast %get3A_169 : i32 to index
        %get3A_171 = arith.index_cast %add3A_168 : i32 to index
        %get3A_172 = arith.constant 0 : index
        %get3A_173 = tpu.vector_load %arg6[%get3A_170, %get3A_171, %get3A_172] {strides = array<i32>} : memref<2x1280x16xf32, #tpu.memory_space<vmem>>, vector<1x1x16xf32>,
        %get3A_174 = vector.shape_cast %get3A_173 : vector<1x1x16xf32> to vector<16xf32>
        %add3A_175 = arith.constant 2 : i32
        %add3A_176 = arith.addi %mul3A_159, %add3A_175 : i32
        %get3A_177 = arith.constant 0 : i32
        %get3A_178 = arith.index_cast %get3A_177 : i32 to index
        %get3A_179 = arith.index_cast %add3A_176 : i32 to index
        %get3A_180 = arith.constant 0 : index
        %get3A_181 = tpu.vector_load %arg6[%get3A_178, %get3A_179, %get3A_180] {strides = array<i32>} : memref<2x1280x16xf32, #tpu.memory_space<vmem>>, vector<1x1x16xf32>,
        %get3A_182 = vector.shape_cast %get3A_181 : vector<1x1x16xf32> to vector<16xf32>
        %add3A_183 = arith.constant 3 : i32
        %add3A_184 = arith.addi %mul3A_159, %add3A_183 : i32
        %get3A_185 = arith.constant 0 : i32
        %get3A_186 = arith.index_cast %get3A_185 : i32 to index
        %get3A_187 = arith.index_cast %add3A_184 : i32 to index
        %get3A_188 = arith.constant 0 : index
        %get3A_189 = tpu.vector_load %arg6[%get3A_186, %get3A_187, %get3A_188] {strides = array<i32>} : memref<2x1280x16xf32, #tpu.memory_space<vmem>>, vector<1x1x16xf32>,
        %get3A_190 = vector.shape_cast %get3A_189 : vector<1x1x16xf32> to vector<16xf32>
        %add3A_191 = arith.constant 4 : i32
        %add3A_192 = arith.addi %mul3A_159, %add3A_191 : i32
        %get3A_193 = arith.constant 0 : i32
        %get3A_194 = arith.index_cast %get3A_193 : i32 to index
        %get3A_195 = arith.index_cast %add3A_192 : i32 to index
        %get3A_196 = arith.constant 0 : index
        %get3A_197 = tpu.vector_load %arg6[%get3A_194, %get3A_195, %get3A_196] {strides = array<i32>} : memref<2x1280x16xf32, #tpu.memory_space<vmem>>, vector<1x1x16xf32>,
        %get3A_198 = vector.shape_cast %get3A_197 : vector<1x1x16xf32> to vector<16xf32>
        %add3A_199 = arith.constant 5 : i32
        %add3A_200 = arith.addi %mul3A_159, %add3A_199 : i32
        %get3A_201 = arith.constant 0 : i32
        %get3A_202 = arith.index_cast %get3A_201 : i32 to index
        %get3A_203 = arith.index_cast %add3A_200 : i32 to index
        %get3A_204 = arith.constant 0 : index
        %get3A_205 = tpu.vector_load %arg6[%get3A_202, %get3A_203, %get3A_204] {strides = array<i32>} : memref<2x1280x16xf32, #tpu.memory_space<vmem>>, vector<1x1x16xf32>,
        %get3A_206 = vector.shape_cast %get3A_205 : vector<1x1x16xf32> to vector<16xf32>
        %add3A_207 = arith.constant 6 : i32
        %add3A_208 = arith.addi %mul3A_159, %add3A_207 : i32
        %get3A_209 = arith.constant 0 : i32
        %get3A_210 = arith.index_cast %get3A_209 : i32 to index
        %get3A_211 = arith.index_cast %add3A_208 : i32 to index
        %get3A_212 = arith.constant 0 : index
        %get3A_213 = tpu.vector_load %arg6[%get3A_210, %get3A_211, %get3A_212] {strides = array<i32>} : memref<2x1280x16xf32, #tpu.memory_space<vmem>>, vector<1x1x16xf32>,
        %get3A_214 = vector.shape_cast %get3A_213 : vector<1x1x16xf32> to vector<16xf32>
        %add3A_215 = arith.constant 7 : i32
        %add3A_216 = arith.addi %mul3A_159, %add3A_215 : i32
        %get3A_217 = arith.constant 0 : i32
        %get3A_218 = arith.index_cast %get3A_217 : i32 to index
        %get3A_219 = arith.index_cast %add3A_216 : i32 to index
        %get3A_220 = arith.constant 0 : index
        %get3A_221 = tpu.vector_load %arg6[%get3A_218, %get3A_219, %get3A_220] {strides = array<i32>} : memref<2x1280x16xf32, #tpu.memory_space<vmem>>, vector<1x1x16xf32>,
        %get3A_222 = vector.shape_cast %get3A_221 : vector<1x1x16xf32> to vector<16xf32>
        %add3A_223 = arith.constant 8 : i32
        %add3A_224 = arith.addi %mul3A_159, %add3A_223 : i32
        %get3A_225 = arith.constant 0 : i32
        %get3A_226 = arith.index_cast %get3A_225 : i32 to index
        %get3A_227 = arith.index_cast %add3A_224 : i32 to index
        %get3A_228 = arith.constant 0 : index
        %get3A_229 = tpu.vector_load %arg6[%get3A_226, %get3A_227, %get3A_228] {strides = array<i32>} : memref<2x1280x16xf32, #tpu.memory_space<vmem>>, vector<1x1x16xf32>,
        %get3A_230 = vector.shape_cast %get3A_229 : vector<1x1x16xf32> to vector<16xf32>
        %add3A_231 = arith.constant 9 : i32
        %add3A_232 = arith.addi %mul3A_159, %add3A_231 : i32
        %get3A_233 = arith.constant 0 : i32
        %get3A_234 = arith.index_cast %get3A_233 : i32 to index
        %get3A_235 = arith.index_cast %add3A_232 : i32 to index
        %get3A_236 = arith.constant 0 : index
        %get3A_237 = tpu.vector_load %arg6[%get3A_234, %get3A_235, %get3A_236] {strides = array<i32>} : memref<2x1280x16xf32, #tpu.memory_space<vmem>>, vector<1x1x16xf32>,
        %get3A_238 = vector.shape_cast %get3A_237 : vector<1x1x16xf32> to vector<16xf32>
        %add3A_239 = arith.constant 10 : i32
        %add3A_240 = arith.addi %mul3A_159, %add3A_239 : i32
        %get3A_241 = arith.constant 0 : i32
        %get3A_242 = arith.index_cast %get3A_241 : i32 to index
        %get3A_243 = arith.index_cast %add3A_240 : i32 to index
        %get3A_244 = arith.constant 0 : index
        %get3A_245 = tpu.vector_load %arg6[%get3A_242, %get3A_243, %get3A_244] {strides = array<i32>} : memref<2x1280x16xf32, #tpu.memory_space<vmem>>, vector<1x1x16xf32>,
        %get3A_246 = vector.shape_cast %get3A_245 : vector<1x1x16xf32> to vector<16xf32>
        %add3A_247 = arith.constant 11 : i32
        %add3A_248 = arith.addi %mul3A_159, %add3A_247 : i32
        %get3A_249 = arith.constant 0 : i32
        %get3A_250 = arith.index_cast %get3A_249 : i32 to index
        %get3A_251 = arith.index_cast %add3A_248 : i32 to index
        %get3A_252 = arith.constant 0 : index
        %get3A_253 = tpu.vector_load %arg6[%get3A_250, %get3A_251, %get3A_252] {strides = array<i32>} : memref<2x1280x16xf32, #tpu.memory_space<vmem>>, vector<1x1x16xf32>,
        %get3A_254 = vector.shape_cast %get3A_253 : vector<1x1x16xf32> to vector<16xf32>
        %add3A_255 = arith.constant 12 : i32
        %add3A_256 = arith.addi %mul3A_159, %add3A_255 : i32
        %get3A_257 = arith.constant 0 : i32
        %get3A_258 = arith.index_cast %get3A_257 : i32 to index
        %get3A_259 = arith.index_cast %add3A_256 : i32 to index
        %get3A_260 = arith.constant 0 : index
        %get3A_261 = tpu.vector_load %arg6[%get3A_258, %get3A_259, %get3A_260] {strides = array<i32>} : memref<2x1280x16xf32, #tpu.memory_space<vmem>>, vector<1x1x16xf32>,
        %get3A_262 = vector.shape_cast %get3A_261 : vector<1x1x16xf32> to vector<16xf32>
        %add3A_263 = arith.constant 13 : i32
        %add3A_264 = arith.addi %mul3A_159, %add3A_263 : i32
        %get3A_265 = arith.constant 0 : i32
        %get3A_266 = arith.index_cast %get3A_265 : i32 to index
        %get3A_267 = arith.index_cast %add3A_264 : i32 to index
        %get3A_268 = arith.constant 0 : index
        %get3A_269 = tpu.vector_load %arg6[%get3A_266, %get3A_267, %get3A_268] {strides = array<i32>} : memref<2x1280x16xf32, #tpu.memory_space<vmem>>, vector<1x1x16xf32>,
        %get3A_270 = vector.shape_cast %get3A_269 : vector<1x1x16xf32> to vector<16xf32>
        %add3A_271 = arith.constant 14 : i32
        %add3A_272 = arith.addi %mul3A_159, %add3A_271 : i32
        %get3A_273 = arith.constant 0 : i32
        %get3A_274 = arith.index_cast %get3A_273 : i32 to index
        %get3A_275 = arith.index_cast %add3A_272 : i32 to index
        %get3A_276 = arith.constant 0 : index
        %get3A_277 = tpu.vector_load %arg6[%get3A_274, %get3A_275, %get3A_276] {strides = array<i32>} : memref<2x1280x16xf32, #tpu.memory_space<vmem>>, vector<1x1x16xf32>,
        %get3A_278 = vector.shape_cast %get3A_277 : vector<1x1x16xf32> to vector<16xf32>
        %add3A_279 = arith.constant 15 : i32
        %add3A_280 = arith.addi %mul3A_159, %add3A_279 : i32
        %get3A_281 = arith.constant 0 : i32
        %get3A_282 = arith.index_cast %get3A_281 : i32 to index
        %get3A_283 = arith.index_cast %add3A_280 : i32 to index
        %get3A_284 = arith.constant 0 : index
        %get3A_285 = tpu.vector_load %arg6[%get3A_282, %get3A_283, %get3A_284] {strides = array<i32>} : memref<2x1280x16xf32, #tpu.memory_space<vmem>>, vector<1x1x16xf32>,
        %get3A_286 = vector.shape_cast %get3A_285 : vector<1x1x16xf32> to vector<16xf32>
        %add3A_287 = arith.constant 16 : i32
        %add3A_288 = arith.addi %mul3A_159, %add3A_287 : i32
        %get3A_289 = arith.constant 0 : i32
        %get3A_290 = arith.index_cast %get3A_289 : i32 to index
        %get3A_291 = arith.index_cast %add3A_288 : i32 to index
        %get3A_292 = arith.constant 0 : index
        %get3A_293 = tpu.vector_load %arg6[%get3A_290, %get3A_291, %get3A_292] {strides = array<i32>} : memref<2x1280x16xf32, #tpu.memory_space<vmem>>, vector<1x1x16xf32>,
        %get3A_294 = vector.shape_cast %get3A_293 : vector<1x1x16xf32> to vector<16xf32>
        %add3A_295 = arith.constant 17 : i32
        %add3A_296 = arith.addi %mul3A_159, %add3A_295 : i32
        %get3A_297 = arith.constant 0 : i32
        %get3A_298 = arith.index_cast %get3A_297 : i32 to index
        %get3A_299 = arith.index_cast %add3A_296 : i32 to index
        %get3A_300 = arith.constant 0 : index
        %get3A_301 = tpu.vector_load %arg6[%get3A_298, %get3A_299, %get3A_300] {strides = array<i32>} : memref<2x1280x16xf32, #tpu.memory_space<vmem>>, vector<1x1x16xf32>,
        %get3A_302 = vector.shape_cast %get3A_301 : vector<1x1x16xf32> to vector<16xf32>
        %add3A_303 = arith.constant 18 : i32
        %add3A_304 = arith.addi %mul3A_159, %add3A_303 : i32
        %get3A_305 = arith.constant 0 : i32
        %get3A_306 = arith.index_cast %get3A_305 : i32 to index
        %get3A_307 = arith.index_cast %add3A_304 : i32 to index
        %get3A_308 = arith.constant 0 : index
        %get3A_309 = tpu.vector_load %arg6[%get3A_306, %get3A_307, %get3A_308] {strides = array<i32>} : memref<2x1280x16xf32, #tpu.memory_space<vmem>>, vector<1x1x16xf32>,
        %get3A_310 = vector.shape_cast %get3A_309 : vector<1x1x16xf32> to vector<16xf32>
        %add3A_311 = arith.constant 19 : i32
        %add3A_312 = arith.addi %mul3A_159, %add3A_311 : i32
        %get3A_313 = arith.constant 0 : i32
        %get3A_314 = arith.index_cast %get3A_313 : i32 to index
        %get3A_315 = arith.index_cast %add3A_312 : i32 to index
        %get3A_316 = arith.constant 0 : index
        %get3A_317 = tpu.vector_load %arg6[%get3A_314, %get3A_315, %get3A_316] {strides = array<i32>} : memref<2x1280x16xf32, #tpu.memory_space<vmem>>, vector<1x1x16xf32>,
        %get3A_318 = vector.shape_cast %get3A_317 : vector<1x1x16xf32> to vector<16xf32>
        %add3A_319 = arith.addf %get3A_166, %get3A_174 : vector<16xf32>
        %add3A_320 = arith.addf %get3A_182, %get3A_190 : vector<16xf32>
        %add3A_321 = arith.addf %get3A_198, %get3A_206 : vector<16xf32>
        %add3A_322 = arith.addf %get3A_214, %get3A_222 : vector<16xf32>
        %add3A_323 = arith.addf %get3A_230, %get3A_238 : vector<16xf32>
        %add3A_324 = arith.addf %get3A_246, %get3A_254 : vector<16xf32>
        %add3A_325 = arith.addf %get3A_262, %get3A_270 : vector<16xf32>
        %add3A_326 = arith.addf %get3A_278, %get3A_286 : vector<16xf32>
        %add3A_327 = arith.addf %get3A_294, %get3A_302 : vector<16xf32>
        %add3A_328 = arith.addf %get3A_310, %get3A_318 : vector<16xf32>
        %add3A_329 = arith.addf %add3A_319, %add3A_320 : vector<16xf32>
        %add3A_330 = arith.addf %add3A_321, %add3A_322 : vector<16xf32>
        %add3A_331 = arith.addf %add3A_323, %add3A_324 : vector<16xf32>
        %add3A_332 = arith.addf %add3A_325, %add3A_326 : vector<16xf32>
        %add3A_333 = arith.addf %add3A_327, %add3A_328 : vector<16xf32>
        %add3A_334 = arith.addf %add3A_329, %add3A_330 : vector<16xf32>
        %add3A_335 = arith.addf %add3A_331, %add3A_332 : vector<16xf32>
        %add3A_336 = arith.addf %add3A_334, %add3A_335 : vector<16xf32>
        %add3A_337 = arith.addf %add3A_336, %add3A_333 : vector<16xf32>
        %mul3A_338 = arith.constant 5.000000e-02 : f32
        %mul3A_339 = vector.broadcast %mul3A_338 : f32 to vector<16xf32>
        %mul3A_340 = arith.mulf %add3A_337, %mul3A_339 : vector<16xf32>
        %add3A_341 = arith.constant 0 : i32
        %add3A_342 = arith.addi %add3A_341, %scan3A_156 : i32
        %swap3A = arith.index_cast %add3A_342 : i32 to index
        %swap3A_343 = arith.index_cast %mul3A_86 : i32 to index
        %swap3A_344 = tpu.vector_load %arg7[%swap3A, %swap3A_343] {strides = array<i32>} : memref<128x208xf32, #tpu.memory_space<vmem>>, vector<1x16xf32>,
        %swap3A_345 = vector.shape_cast %swap3A_344 : vector<1x16xf32> to vector<16xf32>
        %swap3A_346 = vector.shape_cast %mul3A_340 : vector<16xf32> to vector<1x16xf32>
        tpu.vector_store %arg7[%swap3A, %swap3A_343], %swap3A_346 {strides = array<i32>} : memref<128x208xf32, #tpu.memory_space<vmem>>, vector<1x16xf32>,
        %scan3A_347 = arith.constant 0 : i32
        scf.yield %scan3A_347 : i32
      }
      %scan3A_93 = arith.constant 64 : i32
      %add3A_94 = arith.constant 1 : i32
      %add3A_95 = arith.addi %mul3A_44, %add3A_94 : i32
      %add3A_96 = arith.constant 1 : i32
      %add3A_97 = arith.addi %add3A_95, %add3A_96 : i32
      %lt3A_98 = arith.constant 26 : i32
      %lt3A_99 = arith.cmpi slt, %add3A_97, %lt3A_98 : i32
      %convert_element_type3A_100 = arith.extui %lt3A_99 : i1 to i32
      %cond3A_101 = arith.constant 0 : i32
      %cond3A_102 = arith.cmpi ne, %convert_element_type3A_100, %cond3A_101 : i32
      scf.if %cond3A_102 {
        %add3A_156 = arith.constant 1 : i32
        %add3A_157 = arith.addi %add3A_95, %add3A_156 : i32
        %jit3A_158 = arith.constant 2 : i32
        %div3A_159 = arith.divsi %add3A_157, %jit3A_158 : i32
        %sign3A_160 = arith.constant 0 : i32
        %sign3A_161 = arith.cmpi sgt, %add3A_157, %sign3A_160 : i32
        %sign3A_162 = arith.extui %sign3A_161 : i1 to i32
        %sign3A_163 = arith.constant 0 : i32
        %sign3A_164 = arith.cmpi slt, %add3A_157, %sign3A_163 : i32
        %sign3A_165 = arith.extui %sign3A_164 : i1 to i32
        %sign3A_166 = arith.subi %sign3A_162, %sign3A_165 : i32
        %sign3A_167 = arith.constant 0 : i32
        %sign3A_168 = arith.cmpi sgt, %jit3A_158, %sign3A_167 : i32
        %sign3A_169 = arith.extui %sign3A_168 : i1 to i32
        %sign3A_170 = arith.constant 0 : i32
        %sign3A_171 = arith.cmpi slt, %jit3A_158, %sign3A_170 : i32
        %sign3A_172 = arith.extui %sign3A_171 : i1 to i32
        %sign3A_173 = arith.subi %sign3A_169, %sign3A_172 : i32
        %ne3A_174 = arith.cmpi ne, %sign3A_166, %sign3A_173 : i32
        %rem3A_175 = arith.remsi %add3A_157, %jit3A_158 : i32
        %ne3A_176 = arith.constant 0 : i32
        %ne3A_177 = arith.cmpi ne, %rem3A_175, %ne3A_176 : i32
        %and3A_178 = arith.andi %ne3A_174, %ne3A_177 : i1
        %sub3A_179 = arith.constant 1 : i32
        %sub3A_180 = arith.subi %div3A_159, %sub3A_179 : i32
        %select_n3A_181 = arith.select %and3A_178, %sub3A_180, %div3A_159 : i32
        %mul3A_182 = arith.constant 81920 : i32
        %mul3A_183 = arith.muli %select_n3A_181, %mul3A_182 : i32
        %mul3A_184 = arith.constant 20 : i32
        %mul3A_185 = arith.muli %mul3A_2, %mul3A_184 : i32
        %add3A_186 = arith.addi %mul3A_183, %mul3A_185 : i32
        %jit3A_187 = arith.constant 2 : i32
        %eq3A = arith.constant 0 : i32
        %eq3A_188 = arith.cmpi eq, %jit3A_187, %eq3A : i32
        %jit3A_189 = arith.constant 1 : i32
        %select_n3A_190 = arith.select %eq3A_188, %jit3A_189, %jit3A_187 : i32
        %rem3A_191 = arith.remsi %add3A_157, %select_n3A_190 : i32
        %ne3A_192 = arith.constant 0 : i32
        %ne3A_193 = arith.cmpi ne, %rem3A_191, %ne3A_192 : i32
        %lt3A_194 = arith.constant 0 : i32
        %lt3A_195 = arith.cmpi slt, %rem3A_191, %lt3A_194 : i32
        %lt3A_196 = arith.constant 0 : i32
        %lt3A_197 = arith.cmpi slt, %select_n3A_190, %lt3A_196 : i32
        %ne3A_198 = arith.xori %lt3A_195, %lt3A_197 : i1
        %and3A_199 = arith.andi %ne3A_198, %ne3A_193 : i1
        %add3A_200 = arith.addi %rem3A_191, %select_n3A_190 : i32
        %select_n3A_201 = arith.select %and3A_199, %add3A_200, %rem3A_191 : i32
        %mul3A_202 = arith.constant 1280 : i32
        %mul3A_203 = arith.muli %select_n3A_201, %mul3A_202 : i32
        %add3A_204 = arith.addi %add3A_186, %mul3A_203 : i32
        %dma_wait3A_205 = arith.constant 0 : i32
        %dma_wait3A_206 = arith.constant 0 : i32
        %dma_wait3A_207 = tpu.memref_slice %arg5[%dma_wait3A_205, %dma_wait3A_206] : memref<2x1280xi32, #tpu.memory_space<vmem>> -> memref<1x1280xi32, #tpu.memory_space<vmem>>
        %dma_wait3A_208 = tpu.memref_squeeze %dma_wait3A_207 : memref<1x1280xi32, #tpu.memory_space<vmem>> -> memref<1280xi32, #tpu.memory_space<vmem>>
        %dma_wait3A_209 = tpu.memref_slice %arg2[%add3A_204] : memref<1064960xi32, #tpu.memory_space<hbm>> -> memref<1280xi32, #tpu.memory_space<hbm>>
        %dma_wait3A_210 = arith.constant 0 : i32
        %dma_wait3A_211 = tpu.memref_slice %arg5[%dma_wait3A_205, %dma_wait3A_210] : memref<2x1280xi32, #tpu.memory_space<vmem>> -> memref<1x1280xi32, #tpu.memory_space<vmem>>
        %dma_wait3A_212 = tpu.memref_squeeze %dma_wait3A_211 : memref<1x1280xi32, #tpu.memory_space<vmem>> -> memref<1280xi32, #tpu.memory_space<vmem>>
        %dma_wait3A_213 = tpu.memref_slice %arg2[%add3A_204] : memref<1064960xi32, #tpu.memory_space<hbm>> -> memref<1280xi32, #tpu.memory_space<hbm>>
        tpu.wait_dma2 semaphore(%arg10 : memref<!tpu.dma_semaphore, #tpu.memory_space<semaphore_mem>>) src(%dma_wait3A_213 : memref<1280xi32, #tpu.memory_space<hbm>>) dst(%dma_wait3A_212 : memref<1280xi32, #tpu.memory_space<vmem>>)
        %dma_start3A_214 = arith.constant 0 : i32
        %dma_start3A_215 = arith.constant 0 : i32
        %dma_start3A_216 = arith.constant 0 : i32
        %dma_start3A_217 = arith.constant 0 : i32
        %dma_start3A_218 = tpu.memref_slice %arg6[%dma_start3A_215, %dma_start3A_216, %dma_start3A_217] : memref<2x1280x16xf32, #tpu.memory_space<vmem>> -> memref<1x1280x16xf32, #tpu.memory_space<vmem>>
        %dma_start3A_219 = tpu.memref_squeeze %dma_start3A_218 : memref<1x1280x16xf32, #tpu.memory_space<vmem>> -> memref<1280x16xf32, #tpu.memory_space<vmem>>
        %dma_start3A_220 = arith.constant 0 : i32
        %dma_start3A_221 = tpu.memref_slice %arg5[%dma_start3A_214, %dma_start3A_220] : memref<2x1280xi32, #tpu.memory_space<vmem>> -> memref<1x1280xi32, #tpu.memory_space<vmem>>
        %dma_start3A_222 = tpu.memref_squeeze %dma_start3A_221 : memref<1x1280xi32, #tpu.memory_space<vmem>> -> memref<1280xi32, #tpu.memory_space<vmem>>
        %dma_start3A_223 = arith.constant 0 : i32
        %dma_start3A_224 = arith.constant 0 : i32
        %dma_start3A_225 = tpu.memref_slice %arg3[%dma_start3A_223, %dma_start3A_224] : memref<1301248x16xf32, #tpu.memory_space<hbm>> -> memref<1301248x16xf32, #tpu.memory_space<hbm>>
        tpu.enqueue_indirect_dma source(%dma_start3A_225 : memref<1301248x16xf32, #tpu.memory_space<hbm>>) target(%dma_start3A_219 : memref<1280x16xf32, #tpu.memory_space<vmem>>) offsets(%dma_start3A_222 : memref<1280xi32, #tpu.memory_space<vmem>>) semaphore(%arg8 : memref<!tpu.dma_semaphore, #tpu.memory_space<semaphore_mem>>)
      } else {
      }
      %dma_wait3A_103 = arith.constant 1 : i32
      %dma_wait3A_104 = arith.constant 1 : i32
      %dma_wait3A_105 = arith.constant 0 : i32
      %dma_wait3A_106 = arith.constant 0 : i32
      %dma_wait3A_107 = tpu.memref_slice %arg6[%dma_wait3A_104, %dma_wait3A_105, %dma_wait3A_106] : memref<2x1280x16xf32, #tpu.memory_space<vmem>> -> memref<1x1280x16xf32, #tpu.memory_space<vmem>>
      %dma_wait3A_108 = tpu.memref_squeeze %dma_wait3A_107 : memref<1x1280x16xf32, #tpu.memory_space<vmem>> -> memref<1280x16xf32, #tpu.memory_space<vmem>>
      %dma_wait3A_109 = arith.constant 0 : i32
      %dma_wait3A_110 = tpu.memref_slice %arg5[%dma_wait3A_103, %dma_wait3A_109] : memref<2x1280xi32, #tpu.memory_space<vmem>> -> memref<1x1280xi32, #tpu.memory_space<vmem>>
      %dma_wait3A_111 = tpu.memref_squeeze %dma_wait3A_110 : memref<1x1280xi32, #tpu.memory_space<vmem>> -> memref<1280xi32, #tpu.memory_space<vmem>>
      %dma_wait3A_112 = arith.constant 0 : i32
      %dma_wait3A_113 = arith.constant 0 : i32
      %dma_wait3A_114 = tpu.memref_slice %arg3[%dma_wait3A_112, %dma_wait3A_113] : memref<1301248x16xf32, #tpu.memory_space<hbm>> -> memref<1301248x16xf32, #tpu.memory_space<hbm>>
      tpu.wait_indirect_dma semaphore(%arg9 : memref<!tpu.dma_semaphore, #tpu.memory_space<semaphore_mem>>) src(%dma_wait3A_114 : memref<1301248x16xf32, #tpu.memory_space<hbm>>) dst(%dma_wait3A_108 : memref<1280x16xf32, #tpu.memory_space<vmem>>)
      %add3A_115 = arith.constant 2 : i32
      %add3A_116 = arith.addi %add3A_95, %add3A_115 : i32
      %lt3A_117 = arith.constant 26 : i32
      %lt3A_118 = arith.cmpi slt, %add3A_116, %lt3A_117 : i32
      %convert_element_type3A_119 = arith.extui %lt3A_118 : i1 to i32
      %cond3A_120 = arith.constant 0 : i32
      %cond3A_121 = arith.cmpi ne, %convert_element_type3A_119, %cond3A_120 : i32
      scf.if %cond3A_121 {
        %add3A_156 = arith.constant 2 : i32
        %add3A_157 = arith.addi %add3A_95, %add3A_156 : i32
        %jit3A_158 = arith.constant 2 : i32
        %div3A_159 = arith.divsi %add3A_157, %jit3A_158 : i32
        %sign3A_160 = arith.constant 0 : i32
        %sign3A_161 = arith.cmpi sgt, %add3A_157, %sign3A_160 : i32
        %sign3A_162 = arith.extui %sign3A_161 : i1 to i32
        %sign3A_163 = arith.constant 0 : i32
        %sign3A_164 = arith.cmpi slt, %add3A_157, %sign3A_163 : i32
        %sign3A_165 = arith.extui %sign3A_164 : i1 to i32
        %sign3A_166 = arith.subi %sign3A_162, %sign3A_165 : i32
        %sign3A_167 = arith.constant 0 : i32
        %sign3A_168 = arith.cmpi sgt, %jit3A_158, %sign3A_167 : i32
        %sign3A_169 = arith.extui %sign3A_168 : i1 to i32
        %sign3A_170 = arith.constant 0 : i32
        %sign3A_171 = arith.cmpi slt, %jit3A_158, %sign3A_170 : i32
        %sign3A_172 = arith.extui %sign3A_171 : i1 to i32
        %sign3A_173 = arith.subi %sign3A_169, %sign3A_172 : i32
        %ne3A_174 = arith.cmpi ne, %sign3A_166, %sign3A_173 : i32
        %rem3A_175 = arith.remsi %add3A_157, %jit3A_158 : i32
        %ne3A_176 = arith.constant 0 : i32
        %ne3A_177 = arith.cmpi ne, %rem3A_175, %ne3A_176 : i32
        %and3A_178 = arith.andi %ne3A_174, %ne3A_177 : i1
        %sub3A_179 = arith.constant 1 : i32
        %sub3A_180 = arith.subi %div3A_159, %sub3A_179 : i32
        %select_n3A_181 = arith.select %and3A_178, %sub3A_180, %div3A_159 : i32
        %mul3A_182 = arith.constant 81920 : i32
        %mul3A_183 = arith.muli %select_n3A_181, %mul3A_182 : i32
        %mul3A_184 = arith.constant 20 : i32
        %mul3A_185 = arith.muli %mul3A_2, %mul3A_184 : i32
        %add3A_186 = arith.addi %mul3A_183, %mul3A_185 : i32
        %jit3A_187 = arith.constant 2 : i32
        %eq3A = arith.constant 0 : i32
        %eq3A_188 = arith.cmpi eq, %jit3A_187, %eq3A : i32
        %jit3A_189 = arith.constant 1 : i32
        %select_n3A_190 = arith.select %eq3A_188, %jit3A_189, %jit3A_187 : i32
        %rem3A_191 = arith.remsi %add3A_157, %select_n3A_190 : i32
        %ne3A_192 = arith.constant 0 : i32
        %ne3A_193 = arith.cmpi ne, %rem3A_191, %ne3A_192 : i32
        %lt3A_194 = arith.constant 0 : i32
        %lt3A_195 = arith.cmpi slt, %rem3A_191, %lt3A_194 : i32
        %lt3A_196 = arith.constant 0 : i32
        %lt3A_197 = arith.cmpi slt, %select_n3A_190, %lt3A_196 : i32
        %ne3A_198 = arith.xori %lt3A_195, %lt3A_197 : i1
        %and3A_199 = arith.andi %ne3A_198, %ne3A_193 : i1
        %add3A_200 = arith.addi %rem3A_191, %select_n3A_190 : i32
        %select_n3A_201 = arith.select %and3A_199, %add3A_200, %rem3A_191 : i32
        %mul3A_202 = arith.constant 1280 : i32
        %mul3A_203 = arith.muli %select_n3A_201, %mul3A_202 : i32
        %add3A_204 = arith.addi %add3A_186, %mul3A_203 : i32
        %dma_start3A_205 = arith.constant 1 : i32
        %dma_start3A_206 = arith.constant 0 : i32
        %dma_start3A_207 = tpu.memref_slice %arg5[%dma_start3A_205, %dma_start3A_206] : memref<2x1280xi32, #tpu.memory_space<vmem>> -> memref<1x1280xi32, #tpu.memory_space<vmem>>
        %dma_start3A_208 = tpu.memref_squeeze %dma_start3A_207 : memref<1x1280xi32, #tpu.memory_space<vmem>> -> memref<1280xi32, #tpu.memory_space<vmem>>
        %dma_start3A_209 = tpu.memref_slice %arg2[%add3A_204] : memref<1064960xi32, #tpu.memory_space<hbm>> -> memref<1280xi32, #tpu.memory_space<hbm>>
        %dma_start3A_210 = arith.constant 0 : i32
        %dma_start3A_211 = tpu.memref_slice %arg5[%dma_start3A_205, %dma_start3A_210] : memref<2x1280xi32, #tpu.memory_space<vmem>> -> memref<1x1280xi32, #tpu.memory_space<vmem>>
        %dma_start3A_212 = tpu.memref_squeeze %dma_start3A_211 : memref<1x1280xi32, #tpu.memory_space<vmem>> -> memref<1280xi32, #tpu.memory_space<vmem>>
        %dma_start3A_213 = tpu.memref_slice %arg2[%add3A_204] : memref<1064960xi32, #tpu.memory_space<hbm>> -> memref<1280xi32, #tpu.memory_space<hbm>>
        tpu.enqueue_dma source(%dma_start3A_213 : memref<1280xi32, #tpu.memory_space<hbm>>) target(%dma_start3A_212 : memref<1280xi32, #tpu.memory_space<vmem>>) target_semaphore(%arg11 : memref<!tpu.dma_semaphore, #tpu.memory_space<semaphore_mem>>)
      } else {
      }
      %jit3A_122 = arith.constant 2 : i32
      %div3A_123 = arith.divsi %add3A_95, %jit3A_122 : i32
      %sign3A_124 = arith.constant 0 : i32
      %sign3A_125 = arith.cmpi sgt, %add3A_95, %sign3A_124 : i32
      %sign3A_126 = arith.extui %sign3A_125 : i1 to i32
      %sign3A_127 = arith.constant 0 : i32
      %sign3A_128 = arith.cmpi slt, %add3A_95, %sign3A_127 : i32
      %sign3A_129 = arith.extui %sign3A_128 : i1 to i32
      %sign3A_130 = arith.subi %sign3A_126, %sign3A_129 : i32
      %sign3A_131 = arith.constant 0 : i32
      %sign3A_132 = arith.cmpi sgt, %jit3A_122, %sign3A_131 : i32
      %sign3A_133 = arith.extui %sign3A_132 : i1 to i32
      %sign3A_134 = arith.constant 0 : i32
      %sign3A_135 = arith.cmpi slt, %jit3A_122, %sign3A_134 : i32
      %sign3A_136 = arith.extui %sign3A_135 : i1 to i32
      %sign3A_137 = arith.subi %sign3A_133, %sign3A_136 : i32
      %ne3A_138 = arith.cmpi ne, %sign3A_130, %sign3A_137 : i32
      %rem3A_139 = arith.remsi %add3A_95, %jit3A_122 : i32
      %ne3A_140 = arith.constant 0 : i32
      %ne3A_141 = arith.cmpi ne, %rem3A_139, %ne3A_140 : i32
      %and3A_142 = arith.andi %ne3A_138, %ne3A_141 : i1
      %sub3A_143 = arith.constant 1 : i32
      %sub3A_144 = arith.subi %div3A_123, %sub3A_143 : i32
      %select_n3A_145 = arith.select %and3A_142, %sub3A_144, %div3A_123 : i32
      %mul3A_146 = arith.constant 16 : i32
      %mul3A_147 = arith.muli %select_n3A_145, %mul3A_146 : i32
      %scan3A_148 = arith.constant 0 : i32
      %scan3A_149 = arith.constant 0 : i32
      %scan3A_150 = arith.constant 64 : i32
      %scan3A_151 = arith.addi %scan3A_149, %scan3A_150 : i32
      %scan3A_152 = arith.constant 1 : i32
      %scan3A_153 = scf.for %scan3A_156 = %scan3A_149 to %scan3A_151 step %scan3A_152 iter_args(%scan3A_157 = %scan3A_148) -> (i32)  : i32 {
        %mul3A_158 = arith.constant 20 : i32
        %mul3A_159 = arith.muli %scan3A_156, %mul3A_158 : i32
        %add3A_160 = arith.constant 0 : i32
        %add3A_161 = arith.addi %mul3A_159, %add3A_160 : i32
        %get3A = arith.constant 1 : i32
        %get3A_162 = arith.index_cast %get3A : i32 to index
        %get3A_163 = arith.index_cast %add3A_161 : i32 to index
        %get3A_164 = arith.constant 0 : index
        %get3A_165 = tpu.vector_load %arg6[%get3A_162, %get3A_163, %get3A_164] {strides = array<i32>} : memref<2x1280x16xf32, #tpu.memory_space<vmem>>, vector<1x1x16xf32>,
        %get3A_166 = vector.shape_cast %get3A_165 : vector<1x1x16xf32> to vector<16xf32>
        %add3A_167 = arith.constant 1 : i32
        %add3A_168 = arith.addi %mul3A_159, %add3A_167 : i32
        %get3A_169 = arith.constant 1 : i32
        %get3A_170 = arith.index_cast %get3A_169 : i32 to index
        %get3A_171 = arith.index_cast %add3A_168 : i32 to index
        %get3A_172 = arith.constant 0 : index
        %get3A_173 = tpu.vector_load %arg6[%get3A_170, %get3A_171, %get3A_172] {strides = array<i32>} : memref<2x1280x16xf32, #tpu.memory_space<vmem>>, vector<1x1x16xf32>,
        %get3A_174 = vector.shape_cast %get3A_173 : vector<1x1x16xf32> to vector<16xf32>
        %add3A_175 = arith.constant 2 : i32
        %add3A_176 = arith.addi %mul3A_159, %add3A_175 : i32
        %get3A_177 = arith.constant 1 : i32
        %get3A_178 = arith.index_cast %get3A_177 : i32 to index
        %get3A_179 = arith.index_cast %add3A_176 : i32 to index
        %get3A_180 = arith.constant 0 : index
        %get3A_181 = tpu.vector_load %arg6[%get3A_178, %get3A_179, %get3A_180] {strides = array<i32>} : memref<2x1280x16xf32, #tpu.memory_space<vmem>>, vector<1x1x16xf32>,
        %get3A_182 = vector.shape_cast %get3A_181 : vector<1x1x16xf32> to vector<16xf32>
        %add3A_183 = arith.constant 3 : i32
        %add3A_184 = arith.addi %mul3A_159, %add3A_183 : i32
        %get3A_185 = arith.constant 1 : i32
        %get3A_186 = arith.index_cast %get3A_185 : i32 to index
        %get3A_187 = arith.index_cast %add3A_184 : i32 to index
        %get3A_188 = arith.constant 0 : index
        %get3A_189 = tpu.vector_load %arg6[%get3A_186, %get3A_187, %get3A_188] {strides = array<i32>} : memref<2x1280x16xf32, #tpu.memory_space<vmem>>, vector<1x1x16xf32>,
        %get3A_190 = vector.shape_cast %get3A_189 : vector<1x1x16xf32> to vector<16xf32>
        %add3A_191 = arith.constant 4 : i32
        %add3A_192 = arith.addi %mul3A_159, %add3A_191 : i32
        %get3A_193 = arith.constant 1 : i32
        %get3A_194 = arith.index_cast %get3A_193 : i32 to index
        %get3A_195 = arith.index_cast %add3A_192 : i32 to index
        %get3A_196 = arith.constant 0 : index
        %get3A_197 = tpu.vector_load %arg6[%get3A_194, %get3A_195, %get3A_196] {strides = array<i32>} : memref<2x1280x16xf32, #tpu.memory_space<vmem>>, vector<1x1x16xf32>,
        %get3A_198 = vector.shape_cast %get3A_197 : vector<1x1x16xf32> to vector<16xf32>
        %add3A_199 = arith.constant 5 : i32
        %add3A_200 = arith.addi %mul3A_159, %add3A_199 : i32
        %get3A_201 = arith.constant 1 : i32
        %get3A_202 = arith.index_cast %get3A_201 : i32 to index
        %get3A_203 = arith.index_cast %add3A_200 : i32 to index
        %get3A_204 = arith.constant 0 : index
        %get3A_205 = tpu.vector_load %arg6[%get3A_202, %get3A_203, %get3A_204] {strides = array<i32>} : memref<2x1280x16xf32, #tpu.memory_space<vmem>>, vector<1x1x16xf32>,
        %get3A_206 = vector.shape_cast %get3A_205 : vector<1x1x16xf32> to vector<16xf32>
        %add3A_207 = arith.constant 6 : i32
        %add3A_208 = arith.addi %mul3A_159, %add3A_207 : i32
        %get3A_209 = arith.constant 1 : i32
        %get3A_210 = arith.index_cast %get3A_209 : i32 to index
        %get3A_211 = arith.index_cast %add3A_208 : i32 to index
        %get3A_212 = arith.constant 0 : index
        %get3A_213 = tpu.vector_load %arg6[%get3A_210, %get3A_211, %get3A_212] {strides = array<i32>} : memref<2x1280x16xf32, #tpu.memory_space<vmem>>, vector<1x1x16xf32>,
        %get3A_214 = vector.shape_cast %get3A_213 : vector<1x1x16xf32> to vector<16xf32>
        %add3A_215 = arith.constant 7 : i32
        %add3A_216 = arith.addi %mul3A_159, %add3A_215 : i32
        %get3A_217 = arith.constant 1 : i32
        %get3A_218 = arith.index_cast %get3A_217 : i32 to index
        %get3A_219 = arith.index_cast %add3A_216 : i32 to index
        %get3A_220 = arith.constant 0 : index
        %get3A_221 = tpu.vector_load %arg6[%get3A_218, %get3A_219, %get3A_220] {strides = array<i32>} : memref<2x1280x16xf32, #tpu.memory_space<vmem>>, vector<1x1x16xf32>,
        %get3A_222 = vector.shape_cast %get3A_221 : vector<1x1x16xf32> to vector<16xf32>
        %add3A_223 = arith.constant 8 : i32
        %add3A_224 = arith.addi %mul3A_159, %add3A_223 : i32
        %get3A_225 = arith.constant 1 : i32
        %get3A_226 = arith.index_cast %get3A_225 : i32 to index
        %get3A_227 = arith.index_cast %add3A_224 : i32 to index
        %get3A_228 = arith.constant 0 : index
        %get3A_229 = tpu.vector_load %arg6[%get3A_226, %get3A_227, %get3A_228] {strides = array<i32>} : memref<2x1280x16xf32, #tpu.memory_space<vmem>>, vector<1x1x16xf32>,
        %get3A_230 = vector.shape_cast %get3A_229 : vector<1x1x16xf32> to vector<16xf32>
        %add3A_231 = arith.constant 9 : i32
        %add3A_232 = arith.addi %mul3A_159, %add3A_231 : i32
        %get3A_233 = arith.constant 1 : i32
        %get3A_234 = arith.index_cast %get3A_233 : i32 to index
        %get3A_235 = arith.index_cast %add3A_232 : i32 to index
        %get3A_236 = arith.constant 0 : index
        %get3A_237 = tpu.vector_load %arg6[%get3A_234, %get3A_235, %get3A_236] {strides = array<i32>} : memref<2x1280x16xf32, #tpu.memory_space<vmem>>, vector<1x1x16xf32>,
        %get3A_238 = vector.shape_cast %get3A_237 : vector<1x1x16xf32> to vector<16xf32>
        %add3A_239 = arith.constant 10 : i32
        %add3A_240 = arith.addi %mul3A_159, %add3A_239 : i32
        %get3A_241 = arith.constant 1 : i32
        %get3A_242 = arith.index_cast %get3A_241 : i32 to index
        %get3A_243 = arith.index_cast %add3A_240 : i32 to index
        %get3A_244 = arith.constant 0 : index
        %get3A_245 = tpu.vector_load %arg6[%get3A_242, %get3A_243, %get3A_244] {strides = array<i32>} : memref<2x1280x16xf32, #tpu.memory_space<vmem>>, vector<1x1x16xf32>,
        %get3A_246 = vector.shape_cast %get3A_245 : vector<1x1x16xf32> to vector<16xf32>
        %add3A_247 = arith.constant 11 : i32
        %add3A_248 = arith.addi %mul3A_159, %add3A_247 : i32
        %get3A_249 = arith.constant 1 : i32
        %get3A_250 = arith.index_cast %get3A_249 : i32 to index
        %get3A_251 = arith.index_cast %add3A_248 : i32 to index
        %get3A_252 = arith.constant 0 : index
        %get3A_253 = tpu.vector_load %arg6[%get3A_250, %get3A_251, %get3A_252] {strides = array<i32>} : memref<2x1280x16xf32, #tpu.memory_space<vmem>>, vector<1x1x16xf32>,
        %get3A_254 = vector.shape_cast %get3A_253 : vector<1x1x16xf32> to vector<16xf32>
        %add3A_255 = arith.constant 12 : i32
        %add3A_256 = arith.addi %mul3A_159, %add3A_255 : i32
        %get3A_257 = arith.constant 1 : i32
        %get3A_258 = arith.index_cast %get3A_257 : i32 to index
        %get3A_259 = arith.index_cast %add3A_256 : i32 to index
        %get3A_260 = arith.constant 0 : index
        %get3A_261 = tpu.vector_load %arg6[%get3A_258, %get3A_259, %get3A_260] {strides = array<i32>} : memref<2x1280x16xf32, #tpu.memory_space<vmem>>, vector<1x1x16xf32>,
        %get3A_262 = vector.shape_cast %get3A_261 : vector<1x1x16xf32> to vector<16xf32>
        %add3A_263 = arith.constant 13 : i32
        %add3A_264 = arith.addi %mul3A_159, %add3A_263 : i32
        %get3A_265 = arith.constant 1 : i32
        %get3A_266 = arith.index_cast %get3A_265 : i32 to index
        %get3A_267 = arith.index_cast %add3A_264 : i32 to index
        %get3A_268 = arith.constant 0 : index
        %get3A_269 = tpu.vector_load %arg6[%get3A_266, %get3A_267, %get3A_268] {strides = array<i32>} : memref<2x1280x16xf32, #tpu.memory_space<vmem>>, vector<1x1x16xf32>,
        %get3A_270 = vector.shape_cast %get3A_269 : vector<1x1x16xf32> to vector<16xf32>
        %add3A_271 = arith.constant 14 : i32
        %add3A_272 = arith.addi %mul3A_159, %add3A_271 : i32
        %get3A_273 = arith.constant 1 : i32
        %get3A_274 = arith.index_cast %get3A_273 : i32 to index
        %get3A_275 = arith.index_cast %add3A_272 : i32 to index
        %get3A_276 = arith.constant 0 : index
        %get3A_277 = tpu.vector_load %arg6[%get3A_274, %get3A_275, %get3A_276] {strides = array<i32>} : memref<2x1280x16xf32, #tpu.memory_space<vmem>>, vector<1x1x16xf32>,
        %get3A_278 = vector.shape_cast %get3A_277 : vector<1x1x16xf32> to vector<16xf32>
        %add3A_279 = arith.constant 15 : i32
        %add3A_280 = arith.addi %mul3A_159, %add3A_279 : i32
        %get3A_281 = arith.constant 1 : i32
        %get3A_282 = arith.index_cast %get3A_281 : i32 to index
        %get3A_283 = arith.index_cast %add3A_280 : i32 to index
        %get3A_284 = arith.constant 0 : index
        %get3A_285 = tpu.vector_load %arg6[%get3A_282, %get3A_283, %get3A_284] {strides = array<i32>} : memref<2x1280x16xf32, #tpu.memory_space<vmem>>, vector<1x1x16xf32>,
        %get3A_286 = vector.shape_cast %get3A_285 : vector<1x1x16xf32> to vector<16xf32>
        %add3A_287 = arith.constant 16 : i32
        %add3A_288 = arith.addi %mul3A_159, %add3A_287 : i32
        %get3A_289 = arith.constant 1 : i32
        %get3A_290 = arith.index_cast %get3A_289 : i32 to index
        %get3A_291 = arith.index_cast %add3A_288 : i32 to index
        %get3A_292 = arith.constant 0 : index
        %get3A_293 = tpu.vector_load %arg6[%get3A_290, %get3A_291, %get3A_292] {strides = array<i32>} : memref<2x1280x16xf32, #tpu.memory_space<vmem>>, vector<1x1x16xf32>,
        %get3A_294 = vector.shape_cast %get3A_293 : vector<1x1x16xf32> to vector<16xf32>
        %add3A_295 = arith.constant 17 : i32
        %add3A_296 = arith.addi %mul3A_159, %add3A_295 : i32
        %get3A_297 = arith.constant 1 : i32
        %get3A_298 = arith.index_cast %get3A_297 : i32 to index
        %get3A_299 = arith.index_cast %add3A_296 : i32 to index
        %get3A_300 = arith.constant 0 : index
        %get3A_301 = tpu.vector_load %arg6[%get3A_298, %get3A_299, %get3A_300] {strides = array<i32>} : memref<2x1280x16xf32, #tpu.memory_space<vmem>>, vector<1x1x16xf32>,
        %get3A_302 = vector.shape_cast %get3A_301 : vector<1x1x16xf32> to vector<16xf32>
        %add3A_303 = arith.constant 18 : i32
        %add3A_304 = arith.addi %mul3A_159, %add3A_303 : i32
        %get3A_305 = arith.constant 1 : i32
        %get3A_306 = arith.index_cast %get3A_305 : i32 to index
        %get3A_307 = arith.index_cast %add3A_304 : i32 to index
        %get3A_308 = arith.constant 0 : index
        %get3A_309 = tpu.vector_load %arg6[%get3A_306, %get3A_307, %get3A_308] {strides = array<i32>} : memref<2x1280x16xf32, #tpu.memory_space<vmem>>, vector<1x1x16xf32>,
        %get3A_310 = vector.shape_cast %get3A_309 : vector<1x1x16xf32> to vector<16xf32>
        %add3A_311 = arith.constant 19 : i32
        %add3A_312 = arith.addi %mul3A_159, %add3A_311 : i32
        %get3A_313 = arith.constant 1 : i32
        %get3A_314 = arith.index_cast %get3A_313 : i32 to index
        %get3A_315 = arith.index_cast %add3A_312 : i32 to index
        %get3A_316 = arith.constant 0 : index
        %get3A_317 = tpu.vector_load %arg6[%get3A_314, %get3A_315, %get3A_316] {strides = array<i32>} : memref<2x1280x16xf32, #tpu.memory_space<vmem>>, vector<1x1x16xf32>,
        %get3A_318 = vector.shape_cast %get3A_317 : vector<1x1x16xf32> to vector<16xf32>
        %add3A_319 = arith.addf %get3A_166, %get3A_174 : vector<16xf32>
        %add3A_320 = arith.addf %get3A_182, %get3A_190 : vector<16xf32>
        %add3A_321 = arith.addf %get3A_198, %get3A_206 : vector<16xf32>
        %add3A_322 = arith.addf %get3A_214, %get3A_222 : vector<16xf32>
        %add3A_323 = arith.addf %get3A_230, %get3A_238 : vector<16xf32>
        %add3A_324 = arith.addf %get3A_246, %get3A_254 : vector<16xf32>
        %add3A_325 = arith.addf %get3A_262, %get3A_270 : vector<16xf32>
        %add3A_326 = arith.addf %get3A_278, %get3A_286 : vector<16xf32>
        %add3A_327 = arith.addf %get3A_294, %get3A_302 : vector<16xf32>
        %add3A_328 = arith.addf %get3A_310, %get3A_318 : vector<16xf32>
        %add3A_329 = arith.addf %add3A_319, %add3A_320 : vector<16xf32>
        %add3A_330 = arith.addf %add3A_321, %add3A_322 : vector<16xf32>
        %add3A_331 = arith.addf %add3A_323, %add3A_324 : vector<16xf32>
        %add3A_332 = arith.addf %add3A_325, %add3A_326 : vector<16xf32>
        %add3A_333 = arith.addf %add3A_327, %add3A_328 : vector<16xf32>
        %add3A_334 = arith.addf %add3A_329, %add3A_330 : vector<16xf32>
        %add3A_335 = arith.addf %add3A_331, %add3A_332 : vector<16xf32>
        %add3A_336 = arith.addf %add3A_334, %add3A_335 : vector<16xf32>
        %add3A_337 = arith.addf %add3A_336, %add3A_333 : vector<16xf32>
        %mul3A_338 = arith.constant 5.000000e-02 : f32
        %mul3A_339 = vector.broadcast %mul3A_338 : f32 to vector<16xf32>
        %mul3A_340 = arith.mulf %add3A_337, %mul3A_339 : vector<16xf32>
        %add3A_341 = arith.constant 64 : i32
        %add3A_342 = arith.addi %add3A_341, %scan3A_156 : i32
        %swap3A = arith.index_cast %add3A_342 : i32 to index
        %swap3A_343 = arith.index_cast %mul3A_147 : i32 to index
        %swap3A_344 = tpu.vector_load %arg7[%swap3A, %swap3A_343] {strides = array<i32>} : memref<128x208xf32, #tpu.memory_space<vmem>>, vector<1x16xf32>,
        %swap3A_345 = vector.shape_cast %swap3A_344 : vector<1x16xf32> to vector<16xf32>
        %swap3A_346 = vector.shape_cast %mul3A_340 : vector<16xf32> to vector<1x16xf32>
        tpu.vector_store %arg7[%swap3A, %swap3A_343], %swap3A_346 {strides = array<i32>} : memref<128x208xf32, #tpu.memory_space<vmem>>, vector<1x16xf32>,
        %scan3A_347 = arith.constant 0 : i32
        scf.yield %scan3A_347 : i32
      }
      %scan3A_154 = arith.constant 64 : i32
      %scan3A_155 = arith.constant 0 : i32
      scf.yield %scan3A_155 : i32
    }
    %scan3A_40 = arith.constant 13 : i32
    "tpu.region"() ({
      %run_scoped3A_41 = tpu.sem_alloc : memref<!tpu.dma_semaphore, #tpu.memory_space<semaphore_mem>>
      %dma_start3A_42 = arith.constant 0 : i32
      %dma_start3A_43 = tpu.memref_slice %arg4[%mul3A_2, %dma_start3A_42] : memref<4096x208xf32, #tpu.memory_space<hbm>> -> memref<128x208xf32, #tpu.memory_space<hbm>>
      %dma_start3A_44 = arith.constant 0 : i32
      %dma_start3A_45 = tpu.memref_slice %arg4[%mul3A_2, %dma_start3A_44] : memref<4096x208xf32, #tpu.memory_space<hbm>> -> memref<128x208xf32, #tpu.memory_space<hbm>>
      tpu.enqueue_dma source(%arg7 : memref<128x208xf32, #tpu.memory_space<vmem>>) target(%dma_start3A_45 : memref<128x208xf32, #tpu.memory_space<hbm>>) target_semaphore(%run_scoped3A_41 : memref<!tpu.dma_semaphore, #tpu.memory_space<semaphore_mem>>)
      %dma_wait3A = arith.constant 0 : i32
      %dma_wait3A_46 = tpu.memref_slice %arg4[%mul3A_2, %dma_wait3A] : memref<4096x208xf32, #tpu.memory_space<hbm>> -> memref<128x208xf32, #tpu.memory_space<hbm>>
      %dma_wait3A_47 = arith.constant 0 : i32
      %dma_wait3A_48 = tpu.memref_slice %arg4[%mul3A_2, %dma_wait3A_47] : memref<4096x208xf32, #tpu.memory_space<hbm>> -> memref<128x208xf32, #tpu.memory_space<hbm>>
      tpu.wait_dma2 semaphore(%run_scoped3A_41 : memref<!tpu.dma_semaphore, #tpu.memory_space<semaphore_mem>>) src(%arg7 : memref<128x208xf32, #tpu.memory_space<vmem>>) dst(%dma_wait3A_48 : memref<128x208xf32, #tpu.memory_space<hbm>>)
      tpu.yield
    }) : () -> ()
    return
  }
}

#map = affine_map<(d0, d1) -> (0)>
#map1 = affine_map<(d0, d1) -> (0, 0)>
module attributes {stable_mosaic.version = 14 : i64} {
  func.func @_ebag(%arg0: i32, %arg1: i32, %arg2: memref<1064960xi32, #tpu.memory_space<hbm>>, %arg3: memref<1301248x16xf32, #tpu.memory_space<hbm>>, %arg4: memref<4096x208xf32, #tpu.memory_space<hbm>>, %arg5: memref<2x1280xi32, #tpu.memory_space<vmem>>, %arg6: memref<2x1280x16xf32, #tpu.memory_space<vmem>>, %arg7: memref<128x208xf32, #tpu.memory_space<vmem>>, %arg8: memref<!tpu.dma_semaphore, #tpu.memory_space<semaphore_mem>>, %arg9: memref<!tpu.dma_semaphore, #tpu.memory_space<semaphore_mem>>, %arg10: memref<!tpu.dma_semaphore, #tpu.memory_space<semaphore_mem>>, %arg11: memref<!tpu.dma_semaphore, #tpu.memory_space<semaphore_mem>>) attributes {dimension_semantics = [#tpu.dimension_semantics<core_parallel>, #tpu.dimension_semantics<subcore_parallel>], iteration_bounds = array<i64: 2, 16>, scalar_prefetch = 0 : i64, scratch_operands = 7 : i64, tpu.core_type = #tpu.core_type<sc_vector_subcore>, window_params = [{transform_indices = #map}, {transform_indices = #map1}, {transform_indices = #map1}]} {
    %mul3A = arith.constant 2 : i32
    %mul3A_0 = arith.muli %arg1, %mul3A : i32
    %add3A = arith.addi %mul3A_0, %arg0 : i32
    %mul3A_1 = arith.constant 128 : i32
    %mul3A_2 = arith.muli %add3A, %mul3A_1 : i32
    %mul3A_3 = arith.constant 20 : i32
    %mul3A_4 = arith.muli %mul3A_2, %mul3A_3 : i32
    %add3A_5 = arith.constant 0 : i32
    %add3A_6 = arith.addi %add3A_5, %mul3A_4 : i32
    %add3A_7 = arith.constant 0 : i32
    %add3A_8 = arith.addi %add3A_6, %add3A_7 : i32
    %run_scoped3A = arith.constant 0 : i32
    "tpu.region"() ({
      %run_scoped3A_41 = tpu.sem_alloc : memref<!tpu.dma_semaphore, #tpu.memory_space<semaphore_mem>>
      %dma_start3A_42 = arith.constant 0 : i32
      %dma_start3A_43 = tpu.memref_slice %arg5[%run_scoped3A, %dma_start3A_42] : memref<2x1280xi32, #tpu.memory_space<vmem>> -> memref<1x1280xi32, #tpu.memory_space<vmem>>
      %dma_start3A_44 = tpu.memref_squeeze %dma_start3A_43 : memref<1x1280xi32, #tpu.memory_space<vmem>> -> memref<1280xi32, #tpu.memory_space<vmem>>
      %dma_start3A_45 = tpu.memref_slice %arg2[%add3A_8] : memref<1064960xi32, #tpu.memory_space<hbm>> -> memref<1280xi32, #tpu.memory_space<hbm>>
      %dma_start3A_46 = arith.constant 0 : i32
      %dma_start3A_47 = tpu.memref_slice %arg5[%run_scoped3A, %dma_start3A_46] : memref<2x1280xi32, #tpu.memory_space<vmem>> -> memref<1x1280xi32, #tpu.memory_space<vmem>>
      %dma_start3A_48 = tpu.memref_squeeze %dma_start3A_47 : memref<1x1280xi32, #tpu.memory_space<vmem>> -> memref<1280xi32, #tpu.memory_space<vmem>>
      %dma_start3A_49 = tpu.memref_slice %arg2[%add3A_8] : memref<1064960xi32, #tpu.memory_space<hbm>> -> memref<1280xi32, #tpu.memory_space<hbm>>
      tpu.enqueue_dma source(%dma_start3A_49 : memref<1280xi32, #tpu.memory_space<hbm>>) target(%dma_start3A_48 : memref<1280xi32, #tpu.memory_space<vmem>>) target_semaphore(%run_scoped3A_41 : memref<!tpu.dma_semaphore, #tpu.memory_space<semaphore_mem>>)
      %dma_wait3A = arith.constant 0 : i32
      %dma_wait3A_50 = tpu.memref_slice %arg5[%run_scoped3A, %dma_wait3A] : memref<2x1280xi32, #tpu.memory_space<vmem>> -> memref<1x1280xi32, #tpu.memory_space<vmem>>
      %dma_wait3A_51 = tpu.memref_squeeze %dma_wait3A_50 : memref<1x1280xi32, #tpu.memory_space<vmem>> -> memref<1280xi32, #tpu.memory_space<vmem>>
      %dma_wait3A_52 = tpu.memref_slice %arg2[%add3A_8] : memref<1064960xi32, #tpu.memory_space<hbm>> -> memref<1280xi32, #tpu.memory_space<hbm>>
      %dma_wait3A_53 = arith.constant 0 : i32
      %dma_wait3A_54 = tpu.memref_slice %arg5[%run_scoped3A, %dma_wait3A_53] : memref<2x1280xi32, #tpu.memory_space<vmem>> -> memref<1x1280xi32, #tpu.memory_space<vmem>>
      %dma_wait3A_55 = tpu.memref_squeeze %dma_wait3A_54 : memref<1x1280xi32, #tpu.memory_space<vmem>> -> memref<1280xi32, #tpu.memory_space<vmem>>
      %dma_wait3A_56 = tpu.memref_slice %arg2[%add3A_8] : memref<1064960xi32, #tpu.memory_space<hbm>> -> memref<1280xi32, #tpu.memory_space<hbm>>
      tpu.wait_dma2 semaphore(%run_scoped3A_41 : memref<!tpu.dma_semaphore, #tpu.memory_space<semaphore_mem>>) src(%dma_wait3A_56 : memref<1280xi32, #tpu.memory_space<hbm>>) dst(%dma_wait3A_55 : memref<1280xi32, #tpu.memory_space<vmem>>)
      tpu.yield
    }) : () -> ()
    %dma_start3A = arith.constant 0 : i32
    %dma_start3A_9 = arith.constant 0 : i32
    %dma_start3A_10 = arith.constant 0 : i32
    %dma_start3A_11 = arith.constant 0 : i32
    %dma_start3A_12 = tpu.memref_slice %arg6[%dma_start3A_9, %dma_start3A_10, %dma_start3A_11] : memref<2x1280x16xf32, #tpu.memory_space<vmem>> -> memref<1x1280x16xf32, #tpu.memory_space<vmem>>
    %dma_start3A_13 = tpu.memref_squeeze %dma_start3A_12 : memref<1x1280x16xf32, #tpu.memory_space<vmem>> -> memref<1280x16xf32, #tpu.memory_space<vmem>>
    %dma_start3A_14 = arith.constant 0 : i32
    %dma_start3A_15 = tpu.memref_slice %arg5[%dma_start3A, %dma_start3A_14] : memref<2x1280xi32, #tpu.memory_space<vmem>> -> memref<1x1280xi32, #tpu.memory_space<vmem>>
    %dma_start3A_16 = tpu.memref_squeeze %dma_start3A_15 : memref<1x1280xi32, #tpu.memory_space<vmem>> -> memref<1280xi32, #tpu.memory_space<vmem>>
    %dma_start3A_17 = arith.constant 0 : i32
    %dma_start3A_18 = arith.constant 0 : i32
    %dma_start3A_19 = tpu.memref_slice %arg3[%dma_start3A_17, %dma_start3A_18] : memref<1301248x16xf32, #tpu.memory_space<hbm>> -> memref<1301248x16xf32, #tpu.memory_space<hbm>>
    tpu.enqueue_indirect_dma source(%dma_start3A_19 : memref<1301248x16xf32, #tpu.memory_space<hbm>>) target(%dma_start3A_13 : memref<1280x16xf32, #tpu.memory_space<vmem>>) offsets(%dma_start3A_16 : memref<1280xi32, #tpu.memory_space<vmem>>) semaphore(%arg8 : memref<!tpu.dma_semaphore, #tpu.memory_space<semaphore_mem>>)
    %mul3A_20 = arith.constant 20 : i32
    %mul3A_21 = arith.muli %mul3A_2, %mul3A_20 : i32
    %add3A_22 = arith.constant 0 : i32
    %add3A_23 = arith.addi %add3A_22, %mul3A_21 : i32
    %add3A_24 = arith.constant 1280 : i32
    %add3A_25 = arith.addi %add3A_23, %add3A_24 : i32
    %dma_start3A_26 = arith.constant 1 : i32
    %dma_start3A_27 = arith.constant 0 : i32
    %dma_start3A_28 = tpu.memref_slice %arg5[%dma_start3A_26, %dma_start3A_27] : memref<2x1280xi32, #tpu.memory_space<vmem>> -> memref<1x1280xi32, #tpu.memory_space<vmem>>
    %dma_start3A_29 = tpu.memref_squeeze %dma_start3A_28 : memref<1x1280xi32, #tpu.memory_space<vmem>> -> memref<1280xi32, #tpu.memory_space<vmem>>
    %dma_start3A_30 = tpu.memref_slice %arg2[%add3A_25] : memref<1064960xi32, #tpu.memory_space<hbm>> -> memref<1280xi32, #tpu.memory_space<hbm>>
    %dma_start3A_31 = arith.constant 0 : i32
    %dma_start3A_32 = tpu.memref_slice %arg5[%dma_start3A_26, %dma_start3A_31] : memref<2x1280xi32, #tpu.memory_space<vmem>> -> memref<1x1280xi32, #tpu.memory_space<vmem>>
    %dma_start3A_33 = tpu.memref_squeeze %dma_start3A_32 : memref<1x1280xi32, #tpu.memory_space<vmem>> -> memref<1280xi32, #tpu.memory_space<vmem>>
    %dma_start3A_34 = tpu.memref_slice %arg2[%add3A_25] : memref<1064960xi32, #tpu.memory_space<hbm>> -> memref<1280xi32, #tpu.memory_space<hbm>>
    tpu.enqueue_dma source(%dma_start3A_34 : memref<1280xi32, #tpu.memory_space<hbm>>) target(%dma_start3A_33 : memref<1280xi32, #tpu.memory_space<vmem>>) target_semaphore(%arg11 : memref<!tpu.dma_semaphore, #tpu.memory_space<semaphore_mem>>)
    %scan3A = arith.constant 0 : i32
    %scan3A_35 = arith.constant 0 : i32
    %scan3A_36 = arith.constant 13 : i32
    %scan3A_37 = arith.addi %scan3A_35, %scan3A_36 : i32
    %scan3A_38 = arith.constant 1 : i32
    %scan3A_39 = scf.for %scan3A_41 = %scan3A_35 to %scan3A_37 step %scan3A_38 iter_args(%scan3A_42 = %scan3A) -> (i32)  : i32 {
      %mul3A_43 = arith.constant 2 : i32
      %mul3A_44 = arith.muli %mul3A_43, %scan3A_41 : i32
      %add3A_45 = arith.constant 0 : i32
      %add3A_46 = arith.addi %mul3A_44, %add3A_45 : i32
      %add3A_47 = arith.constant 1 : i32
      %add3A_48 = arith.addi %add3A_46, %add3A_47 : i32
      %lt3A = arith.constant 26 : i32
      %lt3A_49 = arith.cmpi slt, %add3A_48, %lt3A : i32
      %convert_element_type3A = arith.extui %lt3A_49 : i1 to i32
      %cond3A = arith.constant 0 : i32
      %cond3A_50 = arith.cmpi ne, %convert_element_type3A, %cond3A : i32
      scf.if %cond3A_50 {
        %add3A_156 = arith.constant 1 : i32
        %add3A_157 = arith.addi %add3A_46, %add3A_156 : i32
        %jit3A_158 = arith.constant 2 : i32
        %div3A_159 = arith.divsi %add3A_157, %jit3A_158 : i32
        %sign3A_160 = arith.constant 0 : i32
        %sign3A_161 = arith.cmpi sgt, %add3A_157, %sign3A_160 : i32
        %sign3A_162 = arith.extui %sign3A_161 : i1 to i32
        %sign3A_163 = arith.constant 0 : i32
        %sign3A_164 = arith.cmpi slt, %add3A_157, %sign3A_163 : i32
        %sign3A_165 = arith.extui %sign3A_164 : i1 to i32
        %sign3A_166 = arith.subi %sign3A_162, %sign3A_165 : i32
        %sign3A_167 = arith.constant 0 : i32
        %sign3A_168 = arith.cmpi sgt, %jit3A_158, %sign3A_167 : i32
        %sign3A_169 = arith.extui %sign3A_168 : i1 to i32
        %sign3A_170 = arith.constant 0 : i32
        %sign3A_171 = arith.cmpi slt, %jit3A_158, %sign3A_170 : i32
        %sign3A_172 = arith.extui %sign3A_171 : i1 to i32
        %sign3A_173 = arith.subi %sign3A_169, %sign3A_172 : i32
        %ne3A_174 = arith.cmpi ne, %sign3A_166, %sign3A_173 : i32
        %rem3A_175 = arith.remsi %add3A_157, %jit3A_158 : i32
        %ne3A_176 = arith.constant 0 : i32
        %ne3A_177 = arith.cmpi ne, %rem3A_175, %ne3A_176 : i32
        %and3A_178 = arith.andi %ne3A_174, %ne3A_177 : i1
        %sub3A_179 = arith.constant 1 : i32
        %sub3A_180 = arith.subi %div3A_159, %sub3A_179 : i32
        %select_n3A_181 = arith.select %and3A_178, %sub3A_180, %div3A_159 : i32
        %mul3A_182 = arith.constant 81920 : i32
        %mul3A_183 = arith.muli %select_n3A_181, %mul3A_182 : i32
        %mul3A_184 = arith.constant 20 : i32
        %mul3A_185 = arith.muli %mul3A_2, %mul3A_184 : i32
        %add3A_186 = arith.addi %mul3A_183, %mul3A_185 : i32
        %jit3A_187 = arith.constant 2 : i32
        %eq3A = arith.constant 0 : i32
        %eq3A_188 = arith.cmpi eq, %jit3A_187, %eq3A : i32
        %jit3A_189 = arith.constant 1 : i32
        %select_n3A_190 = arith.select %eq3A_188, %jit3A_189, %jit3A_187 : i32
        %rem3A_191 = arith.remsi %add3A_157, %select_n3A_190 : i32
        %ne3A_192 = arith.constant 0 : i32
        %ne3A_193 = arith.cmpi ne, %rem3A_191, %ne3A_192 : i32
        %lt3A_194 = arith.constant 0 : i32
        %lt3A_195 = arith.cmpi slt, %rem3A_191, %lt3A_194 : i32
        %lt3A_196 = arith.constant 0 : i32
        %lt3A_197 = arith.cmpi slt, %select_n3A_190, %lt3A_196 : i32
        %ne3A_198 = arith.xori %lt3A_195, %lt3A_197 : i1
        %and3A_199 = arith.andi %ne3A_198, %ne3A_193 : i1
        %add3A_200 = arith.addi %rem3A_191, %select_n3A_190 : i32
        %select_n3A_201 = arith.select %and3A_199, %add3A_200, %rem3A_191 : i32
        %mul3A_202 = arith.constant 1280 : i32
        %mul3A_203 = arith.muli %select_n3A_201, %mul3A_202 : i32
        %add3A_204 = arith.addi %add3A_186, %mul3A_203 : i32
        %dma_wait3A_205 = arith.constant 1 : i32
        %dma_wait3A_206 = arith.constant 0 : i32
        %dma_wait3A_207 = tpu.memref_slice %arg5[%dma_wait3A_205, %dma_wait3A_206] : memref<2x1280xi32, #tpu.memory_space<vmem>> -> memref<1x1280xi32, #tpu.memory_space<vmem>>
        %dma_wait3A_208 = tpu.memref_squeeze %dma_wait3A_207 : memref<1x1280xi32, #tpu.memory_space<vmem>> -> memref<1280xi32, #tpu.memory_space<vmem>>
        %dma_wait3A_209 = tpu.memref_slice %arg2[%add3A_204] : memref<1064960xi32, #tpu.memory_space<hbm>> -> memref<1280xi32, #tpu.memory_space<hbm>>
        %dma_wait3A_210 = arith.constant 0 : i32
        %dma_wait3A_211 = tpu.memref_slice %arg5[%dma_wait3A_205, %dma_wait3A_210] : memref<2x1280xi32, #tpu.memory_space<vmem>> -> memref<1x1280xi32, #tpu.memory_space<vmem>>
        %dma_wait3A_212 = tpu.memref_squeeze %dma_wait3A_211 : memref<1x1280xi32, #tpu.memory_space<vmem>> -> memref<1280xi32, #tpu.memory_space<vmem>>
        %dma_wait3A_213 = tpu.memref_slice %arg2[%add3A_204] : memref<1064960xi32, #tpu.memory_space<hbm>> -> memref<1280xi32, #tpu.memory_space<hbm>>
        tpu.wait_dma2 semaphore(%arg11 : memref<!tpu.dma_semaphore, #tpu.memory_space<semaphore_mem>>) src(%dma_wait3A_213 : memref<1280xi32, #tpu.memory_space<hbm>>) dst(%dma_wait3A_212 : memref<1280xi32, #tpu.memory_space<vmem>>)
        %dma_start3A_214 = arith.constant 1 : i32
        %dma_start3A_215 = arith.constant 1 : i32
        %dma_start3A_216 = arith.constant 0 : i32
        %dma_start3A_217 = arith.constant 0 : i32
        %dma_start3A_218 = tpu.memref_slice %arg6[%dma_start3A_215, %dma_start3A_216, %dma_start3A_217] : memref<2x1280x16xf32, #tpu.memory_space<vmem>> -> memref<1x1280x16xf32, #tpu.memory_space<vmem>>
        %dma_start3A_219 = tpu.memref_squeeze %dma_start3A_218 : memref<1x1280x16xf32, #tpu.memory_space<vmem>> -> memref<1280x16xf32, #tpu.memory_space<vmem>>
        %dma_start3A_220 = arith.constant 0 : i32
        %dma_start3A_221 = tpu.memref_slice %arg5[%dma_start3A_214, %dma_start3A_220] : memref<2x1280xi32, #tpu.memory_space<vmem>> -> memref<1x1280xi32, #tpu.memory_space<vmem>>
        %dma_start3A_222 = tpu.memref_squeeze %dma_start3A_221 : memref<1x1280xi32, #tpu.memory_space<vmem>> -> memref<1280xi32, #tpu.memory_space<vmem>>
        %dma_start3A_223 = arith.constant 0 : i32
        %dma_start3A_224 = arith.constant 0 : i32
        %dma_start3A_225 = tpu.memref_slice %arg3[%dma_start3A_223, %dma_start3A_224] : memref<1301248x16xf32, #tpu.memory_space<hbm>> -> memref<1301248x16xf32, #tpu.memory_space<hbm>>
        tpu.enqueue_indirect_dma source(%dma_start3A_225 : memref<1301248x16xf32, #tpu.memory_space<hbm>>) target(%dma_start3A_219 : memref<1280x16xf32, #tpu.memory_space<vmem>>) offsets(%dma_start3A_222 : memref<1280xi32, #tpu.memory_space<vmem>>) semaphore(%arg9 : memref<!tpu.dma_semaphore, #tpu.memory_space<semaphore_mem>>)
      } else {
      }
      %dma_wait3A = arith.constant 0 : i32
      %dma_wait3A_51 = arith.constant 0 : i32
      %dma_wait3A_52 = arith.constant 0 : i32
      %dma_wait3A_53 = arith.constant 0 : i32
      %dma_wait3A_54 = tpu.memref_slice %arg6[%dma_wait3A_51, %dma_wait3A_52, %dma_wait3A_53] : memref<2x1280x16xf32, #tpu.memory_space<vmem>> -> memref<1x1280x16xf32, #tpu.memory_space<vmem>>
      %dma_wait3A_55 = tpu.memref_squeeze %dma_wait3A_54 : memref<1x1280x16xf32, #tpu.memory_space<vmem>> -> memref<1280x16xf32, #tpu.memory_space<vmem>>
      %dma_wait3A_56 = arith.constant 0 : i32
      %dma_wait3A_57 = tpu.memref_slice %arg5[%dma_wait3A, %dma_wait3A_56] : memref<2x1280xi32, #tpu.memory_space<vmem>> -> memref<1x1280xi32, #tpu.memory_space<vmem>>
      %dma_wait3A_58 = tpu.memref_squeeze %dma_wait3A_57 : memref<1x1280xi32, #tpu.memory_space<vmem>> -> memref<1280xi32, #tpu.memory_space<vmem>>
      %dma_wait3A_59 = arith.constant 0 : i32
      %dma_wait3A_60 = arith.constant 0 : i32
      %dma_wait3A_61 = tpu.memref_slice %arg3[%dma_wait3A_59, %dma_wait3A_60] : memref<1301248x16xf32, #tpu.memory_space<hbm>> -> memref<1301248x16xf32, #tpu.memory_space<hbm>>
      tpu.wait_indirect_dma semaphore(%arg8 : memref<!tpu.dma_semaphore, #tpu.memory_space<semaphore_mem>>) src(%dma_wait3A_61 : memref<1301248x16xf32, #tpu.memory_space<hbm>>) dst(%dma_wait3A_55 : memref<1280x16xf32, #tpu.memory_space<vmem>>)
      %add3A_62 = arith.constant 2 : i32
      %add3A_63 = arith.addi %add3A_46, %add3A_62 : i32
      %lt3A_64 = arith.constant 26 : i32
      %lt3A_65 = arith.cmpi slt, %add3A_63, %lt3A_64 : i32
      %convert_element_type3A_66 = arith.extui %lt3A_65 : i1 to i32
      %cond3A_67 = arith.constant 0 : i32
      %cond3A_68 = arith.cmpi ne, %convert_element_type3A_66, %cond3A_67 : i32
      scf.if %cond3A_68 {
        %add3A_156 = arith.constant 2 : i32
        %add3A_157 = arith.addi %add3A_46, %add3A_156 : i32
        %jit3A_158 = arith.constant 2 : i32
        %div3A_159 = arith.divsi %add3A_157, %jit3A_158 : i32
        %sign3A_160 = arith.constant 0 : i32
        %sign3A_161 = arith.cmpi sgt, %add3A_157, %sign3A_160 : i32
        %sign3A_162 = arith.extui %sign3A_161 : i1 to i32
        %sign3A_163 = arith.constant 0 : i32
        %sign3A_164 = arith.cmpi slt, %add3A_157, %sign3A_163 : i32
        %sign3A_165 = arith.extui %sign3A_164 : i1 to i32
        %sign3A_166 = arith.subi %sign3A_162, %sign3A_165 : i32
        %sign3A_167 = arith.constant 0 : i32
        %sign3A_168 = arith.cmpi sgt, %jit3A_158, %sign3A_167 : i32
        %sign3A_169 = arith.extui %sign3A_168 : i1 to i32
        %sign3A_170 = arith.constant 0 : i32
        %sign3A_171 = arith.cmpi slt, %jit3A_158, %sign3A_170 : i32
        %sign3A_172 = arith.extui %sign3A_171 : i1 to i32
        %sign3A_173 = arith.subi %sign3A_169, %sign3A_172 : i32
        %ne3A_174 = arith.cmpi ne, %sign3A_166, %sign3A_173 : i32
        %rem3A_175 = arith.remsi %add3A_157, %jit3A_158 : i32
        %ne3A_176 = arith.constant 0 : i32
        %ne3A_177 = arith.cmpi ne, %rem3A_175, %ne3A_176 : i32
        %and3A_178 = arith.andi %ne3A_174, %ne3A_177 : i1
        %sub3A_179 = arith.constant 1 : i32
        %sub3A_180 = arith.subi %div3A_159, %sub3A_179 : i32
        %select_n3A_181 = arith.select %and3A_178, %sub3A_180, %div3A_159 : i32
        %mul3A_182 = arith.constant 81920 : i32
        %mul3A_183 = arith.muli %select_n3A_181, %mul3A_182 : i32
        %mul3A_184 = arith.constant 20 : i32
        %mul3A_185 = arith.muli %mul3A_2, %mul3A_184 : i32
        %add3A_186 = arith.addi %mul3A_183, %mul3A_185 : i32
        %jit3A_187 = arith.constant 2 : i32
        %eq3A = arith.constant 0 : i32
        %eq3A_188 = arith.cmpi eq, %jit3A_187, %eq3A : i32
        %jit3A_189 = arith.constant 1 : i32
        %select_n3A_190 = arith.select %eq3A_188, %jit3A_189, %jit3A_187 : i32
        %rem3A_191 = arith.remsi %add3A_157, %select_n3A_190 : i32
        %ne3A_192 = arith.constant 0 : i32
        %ne3A_193 = arith.cmpi ne, %rem3A_191, %ne3A_192 : i32
        %lt3A_194 = arith.constant 0 : i32
        %lt3A_195 = arith.cmpi slt, %rem3A_191, %lt3A_194 : i32
        %lt3A_196 = arith.constant 0 : i32
        %lt3A_197 = arith.cmpi slt, %select_n3A_190, %lt3A_196 : i32
        %ne3A_198 = arith.xori %lt3A_195, %lt3A_197 : i1
        %and3A_199 = arith.andi %ne3A_198, %ne3A_193 : i1
        %add3A_200 = arith.addi %rem3A_191, %select_n3A_190 : i32
        %select_n3A_201 = arith.select %and3A_199, %add3A_200, %rem3A_191 : i32
        %mul3A_202 = arith.constant 1280 : i32
        %mul3A_203 = arith.muli %select_n3A_201, %mul3A_202 : i32
        %add3A_204 = arith.addi %add3A_186, %mul3A_203 : i32
        %dma_start3A_205 = arith.constant 0 : i32
        %dma_start3A_206 = arith.constant 0 : i32
        %dma_start3A_207 = tpu.memref_slice %arg5[%dma_start3A_205, %dma_start3A_206] : memref<2x1280xi32, #tpu.memory_space<vmem>> -> memref<1x1280xi32, #tpu.memory_space<vmem>>
        %dma_start3A_208 = tpu.memref_squeeze %dma_start3A_207 : memref<1x1280xi32, #tpu.memory_space<vmem>> -> memref<1280xi32, #tpu.memory_space<vmem>>
        %dma_start3A_209 = tpu.memref_slice %arg2[%add3A_204] : memref<1064960xi32, #tpu.memory_space<hbm>> -> memref<1280xi32, #tpu.memory_space<hbm>>
        %dma_start3A_210 = arith.constant 0 : i32
        %dma_start3A_211 = tpu.memref_slice %arg5[%dma_start3A_205, %dma_start3A_210] : memref<2x1280xi32, #tpu.memory_space<vmem>> -> memref<1x1280xi32, #tpu.memory_space<vmem>>
        %dma_start3A_212 = tpu.memref_squeeze %dma_start3A_211 : memref<1x1280xi32, #tpu.memory_space<vmem>> -> memref<1280xi32, #tpu.memory_space<vmem>>
        %dma_start3A_213 = tpu.memref_slice %arg2[%add3A_204] : memref<1064960xi32, #tpu.memory_space<hbm>> -> memref<1280xi32, #tpu.memory_space<hbm>>
        tpu.enqueue_dma source(%dma_start3A_213 : memref<1280xi32, #tpu.memory_space<hbm>>) target(%dma_start3A_212 : memref<1280xi32, #tpu.memory_space<vmem>>) target_semaphore(%arg10 : memref<!tpu.dma_semaphore, #tpu.memory_space<semaphore_mem>>)
      } else {
      }
      %jit3A = arith.constant 2 : i32
      %div3A = arith.divsi %add3A_46, %jit3A : i32
      %sign3A = arith.constant 0 : i32
      %sign3A_69 = arith.cmpi sgt, %add3A_46, %sign3A : i32
      %sign3A_70 = arith.extui %sign3A_69 : i1 to i32
      %sign3A_71 = arith.constant 0 : i32
      %sign3A_72 = arith.cmpi slt, %add3A_46, %sign3A_71 : i32
      %sign3A_73 = arith.extui %sign3A_72 : i1 to i32
      %sign3A_74 = arith.subi %sign3A_70, %sign3A_73 : i32
      %sign3A_75 = arith.constant 0 : i32
      %sign3A_76 = arith.cmpi sgt, %jit3A, %sign3A_75 : i32
      %sign3A_77 = arith.extui %sign3A_76 : i1 to i32
      %sign3A_78 = arith.constant 0 : i32
      %sign3A_79 = arith.cmpi slt, %jit3A, %sign3A_78 : i32
      %sign3A_80 = arith.extui %sign3A_79 : i1 to i32
      %sign3A_81 = arith.subi %sign3A_77, %sign3A_80 : i32
      %ne3A = arith.cmpi ne, %sign3A_74, %sign3A_81 : i32
      %rem3A = arith.remsi %add3A_46, %jit3A : i32
      %ne3A_82 = arith.constant 0 : i32
      %ne3A_83 = arith.cmpi ne, %rem3A, %ne3A_82 : i32
      %and3A = arith.andi %ne3A, %ne3A_83 : i1
      %sub3A = arith.constant 1 : i32
      %sub3A_84 = arith.subi %div3A, %sub3A : i32
      %select_n3A = arith.select %and3A, %sub3A_84, %div3A : i32
      %mul3A_85 = arith.constant 16 : i32
      %mul3A_86 = arith.muli %select_n3A, %mul3A_85 : i32
      %scan3A_87 = arith.constant 0 : i32
      %scan3A_88 = arith.constant 0 : i32
      %scan3A_89 = arith.constant 64 : i32
      %scan3A_90 = arith.addi %scan3A_88, %scan3A_89 : i32
      %scan3A_91 = arith.constant 1 : i32
      %scan3A_92 = scf.for %scan3A_156 = %scan3A_88 to %scan3A_90 step %scan3A_91 iter_args(%scan3A_157 = %scan3A_87) -> (i32)  : i32 {
        %mul3A_158 = arith.constant 20 : i32
        %mul3A_159 = arith.muli %scan3A_156, %mul3A_158 : i32
        %add3A_160 = arith.constant 0 : i32
        %add3A_161 = arith.addi %mul3A_159, %add3A_160 : i32
        %get3A = arith.constant 0 : i32
        %get3A_162 = arith.index_cast %get3A : i32 to index
        %get3A_163 = arith.index_cast %add3A_161 : i32 to index
        %get3A_164 = arith.constant 0 : index
        %get3A_165 = tpu.vector_load %arg6[%get3A_162, %get3A_163, %get3A_164] {strides = array<i32>} : memref<2x1280x16xf32, #tpu.memory_space<vmem>>, vector<1x1x16xf32>,
        %get3A_166 = vector.shape_cast %get3A_165 : vector<1x1x16xf32> to vector<16xf32>
        %add3A_167 = arith.constant 1 : i32
        %add3A_168 = arith.addi %mul3A_159, %add3A_167 : i32
        %get3A_169 = arith.constant 0 : i32
        %get3A_170 = arith.index_cast %get3A_169 : i32 to index
        %get3A_171 = arith.index_cast %add3A_168 : i32 to index
        %get3A_172 = arith.constant 0 : index
        %get3A_173 = tpu.vector_load %arg6[%get3A_170, %get3A_171, %get3A_172] {strides = array<i32>} : memref<2x1280x16xf32, #tpu.memory_space<vmem>>, vector<1x1x16xf32>,
        %get3A_174 = vector.shape_cast %get3A_173 : vector<1x1x16xf32> to vector<16xf32>
        %add3A_175 = arith.constant 2 : i32
        %add3A_176 = arith.addi %mul3A_159, %add3A_175 : i32
        %get3A_177 = arith.constant 0 : i32
        %get3A_178 = arith.index_cast %get3A_177 : i32 to index
        %get3A_179 = arith.index_cast %add3A_176 : i32 to index
        %get3A_180 = arith.constant 0 : index
        %get3A_181 = tpu.vector_load %arg6[%get3A_178, %get3A_179, %get3A_180] {strides = array<i32>} : memref<2x1280x16xf32, #tpu.memory_space<vmem>>, vector<1x1x16xf32>,
        %get3A_182 = vector.shape_cast %get3A_181 : vector<1x1x16xf32> to vector<16xf32>
        %add3A_183 = arith.constant 3 : i32
        %add3A_184 = arith.addi %mul3A_159, %add3A_183 : i32
        %get3A_185 = arith.constant 0 : i32
        %get3A_186 = arith.index_cast %get3A_185 : i32 to index
        %get3A_187 = arith.index_cast %add3A_184 : i32 to index
        %get3A_188 = arith.constant 0 : index
        %get3A_189 = tpu.vector_load %arg6[%get3A_186, %get3A_187, %get3A_188] {strides = array<i32>} : memref<2x1280x16xf32, #tpu.memory_space<vmem>>, vector<1x1x16xf32>,
        %get3A_190 = vector.shape_cast %get3A_189 : vector<1x1x16xf32> to vector<16xf32>
        %add3A_191 = arith.constant 4 : i32
        %add3A_192 = arith.addi %mul3A_159, %add3A_191 : i32
        %get3A_193 = arith.constant 0 : i32
        %get3A_194 = arith.index_cast %get3A_193 : i32 to index
        %get3A_195 = arith.index_cast %add3A_192 : i32 to index
        %get3A_196 = arith.constant 0 : index
        %get3A_197 = tpu.vector_load %arg6[%get3A_194, %get3A_195, %get3A_196] {strides = array<i32>} : memref<2x1280x16xf32, #tpu.memory_space<vmem>>, vector<1x1x16xf32>,
        %get3A_198 = vector.shape_cast %get3A_197 : vector<1x1x16xf32> to vector<16xf32>
        %add3A_199 = arith.constant 5 : i32
        %add3A_200 = arith.addi %mul3A_159, %add3A_199 : i32
        %get3A_201 = arith.constant 0 : i32
        %get3A_202 = arith.index_cast %get3A_201 : i32 to index
        %get3A_203 = arith.index_cast %add3A_200 : i32 to index
        %get3A_204 = arith.constant 0 : index
        %get3A_205 = tpu.vector_load %arg6[%get3A_202, %get3A_203, %get3A_204] {strides = array<i32>} : memref<2x1280x16xf32, #tpu.memory_space<vmem>>, vector<1x1x16xf32>,
        %get3A_206 = vector.shape_cast %get3A_205 : vector<1x1x16xf32> to vector<16xf32>
        %add3A_207 = arith.constant 6 : i32
        %add3A_208 = arith.addi %mul3A_159, %add3A_207 : i32
        %get3A_209 = arith.constant 0 : i32
        %get3A_210 = arith.index_cast %get3A_209 : i32 to index
        %get3A_211 = arith.index_cast %add3A_208 : i32 to index
        %get3A_212 = arith.constant 0 : index
        %get3A_213 = tpu.vector_load %arg6[%get3A_210, %get3A_211, %get3A_212] {strides = array<i32>} : memref<2x1280x16xf32, #tpu.memory_space<vmem>>, vector<1x1x16xf32>,
        %get3A_214 = vector.shape_cast %get3A_213 : vector<1x1x16xf32> to vector<16xf32>
        %add3A_215 = arith.constant 7 : i32
        %add3A_216 = arith.addi %mul3A_159, %add3A_215 : i32
        %get3A_217 = arith.constant 0 : i32
        %get3A_218 = arith.index_cast %get3A_217 : i32 to index
        %get3A_219 = arith.index_cast %add3A_216 : i32 to index
        %get3A_220 = arith.constant 0 : index
        %get3A_221 = tpu.vector_load %arg6[%get3A_218, %get3A_219, %get3A_220] {strides = array<i32>} : memref<2x1280x16xf32, #tpu.memory_space<vmem>>, vector<1x1x16xf32>,
        %get3A_222 = vector.shape_cast %get3A_221 : vector<1x1x16xf32> to vector<16xf32>
        %add3A_223 = arith.constant 8 : i32
        %add3A_224 = arith.addi %mul3A_159, %add3A_223 : i32
        %get3A_225 = arith.constant 0 : i32
        %get3A_226 = arith.index_cast %get3A_225 : i32 to index
        %get3A_227 = arith.index_cast %add3A_224 : i32 to index
        %get3A_228 = arith.constant 0 : index
        %get3A_229 = tpu.vector_load %arg6[%get3A_226, %get3A_227, %get3A_228] {strides = array<i32>} : memref<2x1280x16xf32, #tpu.memory_space<vmem>>, vector<1x1x16xf32>,
        %get3A_230 = vector.shape_cast %get3A_229 : vector<1x1x16xf32> to vector<16xf32>
        %add3A_231 = arith.constant 9 : i32
        %add3A_232 = arith.addi %mul3A_159, %add3A_231 : i32
        %get3A_233 = arith.constant 0 : i32
        %get3A_234 = arith.index_cast %get3A_233 : i32 to index
        %get3A_235 = arith.index_cast %add3A_232 : i32 to index
        %get3A_236 = arith.constant 0 : index
        %get3A_237 = tpu.vector_load %arg6[%get3A_234, %get3A_235, %get3A_236] {strides = array<i32>} : memref<2x1280x16xf32, #tpu.memory_space<vmem>>, vector<1x1x16xf32>,
        %get3A_238 = vector.shape_cast %get3A_237 : vector<1x1x16xf32> to vector<16xf32>
        %add3A_239 = arith.constant 10 : i32
        %add3A_240 = arith.addi %mul3A_159, %add3A_239 : i32
        %get3A_241 = arith.constant 0 : i32
        %get3A_242 = arith.index_cast %get3A_241 : i32 to index
        %get3A_243 = arith.index_cast %add3A_240 : i32 to index
        %get3A_244 = arith.constant 0 : index
        %get3A_245 = tpu.vector_load %arg6[%get3A_242, %get3A_243, %get3A_244] {strides = array<i32>} : memref<2x1280x16xf32, #tpu.memory_space<vmem>>, vector<1x1x16xf32>,
        %get3A_246 = vector.shape_cast %get3A_245 : vector<1x1x16xf32> to vector<16xf32>
        %add3A_247 = arith.constant 11 : i32
        %add3A_248 = arith.addi %mul3A_159, %add3A_247 : i32
        %get3A_249 = arith.constant 0 : i32
        %get3A_250 = arith.index_cast %get3A_249 : i32 to index
        %get3A_251 = arith.index_cast %add3A_248 : i32 to index
        %get3A_252 = arith.constant 0 : index
        %get3A_253 = tpu.vector_load %arg6[%get3A_250, %get3A_251, %get3A_252] {strides = array<i32>} : memref<2x1280x16xf32, #tpu.memory_space<vmem>>, vector<1x1x16xf32>,
        %get3A_254 = vector.shape_cast %get3A_253 : vector<1x1x16xf32> to vector<16xf32>
        %add3A_255 = arith.constant 12 : i32
        %add3A_256 = arith.addi %mul3A_159, %add3A_255 : i32
        %get3A_257 = arith.constant 0 : i32
        %get3A_258 = arith.index_cast %get3A_257 : i32 to index
        %get3A_259 = arith.index_cast %add3A_256 : i32 to index
        %get3A_260 = arith.constant 0 : index
        %get3A_261 = tpu.vector_load %arg6[%get3A_258, %get3A_259, %get3A_260] {strides = array<i32>} : memref<2x1280x16xf32, #tpu.memory_space<vmem>>, vector<1x1x16xf32>,
        %get3A_262 = vector.shape_cast %get3A_261 : vector<1x1x16xf32> to vector<16xf32>
        %add3A_263 = arith.constant 13 : i32
        %add3A_264 = arith.addi %mul3A_159, %add3A_263 : i32
        %get3A_265 = arith.constant 0 : i32
        %get3A_266 = arith.index_cast %get3A_265 : i32 to index
        %get3A_267 = arith.index_cast %add3A_264 : i32 to index
        %get3A_268 = arith.constant 0 : index
        %get3A_269 = tpu.vector_load %arg6[%get3A_266, %get3A_267, %get3A_268] {strides = array<i32>} : memref<2x1280x16xf32, #tpu.memory_space<vmem>>, vector<1x1x16xf32>,
        %get3A_270 = vector.shape_cast %get3A_269 : vector<1x1x16xf32> to vector<16xf32>
        %add3A_271 = arith.constant 14 : i32
        %add3A_272 = arith.addi %mul3A_159, %add3A_271 : i32
        %get3A_273 = arith.constant 0 : i32
        %get3A_274 = arith.index_cast %get3A_273 : i32 to index
        %get3A_275 = arith.index_cast %add3A_272 : i32 to index
        %get3A_276 = arith.constant 0 : index
        %get3A_277 = tpu.vector_load %arg6[%get3A_274, %get3A_275, %get3A_276] {strides = array<i32>} : memref<2x1280x16xf32, #tpu.memory_space<vmem>>, vector<1x1x16xf32>,
        %get3A_278 = vector.shape_cast %get3A_277 : vector<1x1x16xf32> to vector<16xf32>
        %add3A_279 = arith.constant 15 : i32
        %add3A_280 = arith.addi %mul3A_159, %add3A_279 : i32
        %get3A_281 = arith.constant 0 : i32
        %get3A_282 = arith.index_cast %get3A_281 : i32 to index
        %get3A_283 = arith.index_cast %add3A_280 : i32 to index
        %get3A_284 = arith.constant 0 : index
        %get3A_285 = tpu.vector_load %arg6[%get3A_282, %get3A_283, %get3A_284] {strides = array<i32>} : memref<2x1280x16xf32, #tpu.memory_space<vmem>>, vector<1x1x16xf32>,
        %get3A_286 = vector.shape_cast %get3A_285 : vector<1x1x16xf32> to vector<16xf32>
        %add3A_287 = arith.constant 16 : i32
        %add3A_288 = arith.addi %mul3A_159, %add3A_287 : i32
        %get3A_289 = arith.constant 0 : i32
        %get3A_290 = arith.index_cast %get3A_289 : i32 to index
        %get3A_291 = arith.index_cast %add3A_288 : i32 to index
        %get3A_292 = arith.constant 0 : index
        %get3A_293 = tpu.vector_load %arg6[%get3A_290, %get3A_291, %get3A_292] {strides = array<i32>} : memref<2x1280x16xf32, #tpu.memory_space<vmem>>, vector<1x1x16xf32>,
        %get3A_294 = vector.shape_cast %get3A_293 : vector<1x1x16xf32> to vector<16xf32>
        %add3A_295 = arith.constant 17 : i32
        %add3A_296 = arith.addi %mul3A_159, %add3A_295 : i32
        %get3A_297 = arith.constant 0 : i32
        %get3A_298 = arith.index_cast %get3A_297 : i32 to index
        %get3A_299 = arith.index_cast %add3A_296 : i32 to index
        %get3A_300 = arith.constant 0 : index
        %get3A_301 = tpu.vector_load %arg6[%get3A_298, %get3A_299, %get3A_300] {strides = array<i32>} : memref<2x1280x16xf32, #tpu.memory_space<vmem>>, vector<1x1x16xf32>,
        %get3A_302 = vector.shape_cast %get3A_301 : vector<1x1x16xf32> to vector<16xf32>
        %add3A_303 = arith.constant 18 : i32
        %add3A_304 = arith.addi %mul3A_159, %add3A_303 : i32
        %get3A_305 = arith.constant 0 : i32
        %get3A_306 = arith.index_cast %get3A_305 : i32 to index
        %get3A_307 = arith.index_cast %add3A_304 : i32 to index
        %get3A_308 = arith.constant 0 : index
        %get3A_309 = tpu.vector_load %arg6[%get3A_306, %get3A_307, %get3A_308] {strides = array<i32>} : memref<2x1280x16xf32, #tpu.memory_space<vmem>>, vector<1x1x16xf32>,
        %get3A_310 = vector.shape_cast %get3A_309 : vector<1x1x16xf32> to vector<16xf32>
        %add3A_311 = arith.constant 19 : i32
        %add3A_312 = arith.addi %mul3A_159, %add3A_311 : i32
        %get3A_313 = arith.constant 0 : i32
        %get3A_314 = arith.index_cast %get3A_313 : i32 to index
        %get3A_315 = arith.index_cast %add3A_312 : i32 to index
        %get3A_316 = arith.constant 0 : index
        %get3A_317 = tpu.vector_load %arg6[%get3A_314, %get3A_315, %get3A_316] {strides = array<i32>} : memref<2x1280x16xf32, #tpu.memory_space<vmem>>, vector<1x1x16xf32>,
        %get3A_318 = vector.shape_cast %get3A_317 : vector<1x1x16xf32> to vector<16xf32>
        %add3A_319 = arith.addf %get3A_166, %get3A_174 : vector<16xf32>
        %add3A_320 = arith.addf %get3A_182, %get3A_190 : vector<16xf32>
        %add3A_321 = arith.addf %get3A_198, %get3A_206 : vector<16xf32>
        %add3A_322 = arith.addf %get3A_214, %get3A_222 : vector<16xf32>
        %add3A_323 = arith.addf %get3A_230, %get3A_238 : vector<16xf32>
        %add3A_324 = arith.addf %get3A_246, %get3A_254 : vector<16xf32>
        %add3A_325 = arith.addf %get3A_262, %get3A_270 : vector<16xf32>
        %add3A_326 = arith.addf %get3A_278, %get3A_286 : vector<16xf32>
        %add3A_327 = arith.addf %get3A_294, %get3A_302 : vector<16xf32>
        %add3A_328 = arith.addf %get3A_310, %get3A_318 : vector<16xf32>
        %add3A_329 = arith.addf %add3A_319, %add3A_320 : vector<16xf32>
        %add3A_330 = arith.addf %add3A_321, %add3A_322 : vector<16xf32>
        %add3A_331 = arith.addf %add3A_323, %add3A_324 : vector<16xf32>
        %add3A_332 = arith.addf %add3A_325, %add3A_326 : vector<16xf32>
        %add3A_333 = arith.addf %add3A_327, %add3A_328 : vector<16xf32>
        %add3A_334 = arith.addf %add3A_329, %add3A_330 : vector<16xf32>
        %add3A_335 = arith.addf %add3A_331, %add3A_332 : vector<16xf32>
        %add3A_336 = arith.addf %add3A_334, %add3A_335 : vector<16xf32>
        %add3A_337 = arith.addf %add3A_336, %add3A_333 : vector<16xf32>
        %mul3A_338 = arith.constant 5.000000e-02 : f32
        %mul3A_339 = vector.broadcast %mul3A_338 : f32 to vector<16xf32>
        %mul3A_340 = arith.mulf %add3A_337, %mul3A_339 : vector<16xf32>
        %add3A_341 = arith.constant 0 : i32
        %add3A_342 = arith.addi %add3A_341, %scan3A_156 : i32
        %swap3A = arith.index_cast %add3A_342 : i32 to index
        %swap3A_343 = arith.index_cast %mul3A_86 : i32 to index
        %swap3A_344 = tpu.vector_load %arg7[%swap3A, %swap3A_343] {strides = array<i32>} : memref<128x208xf32, #tpu.memory_space<vmem>>, vector<1x16xf32>,
        %swap3A_345 = vector.shape_cast %swap3A_344 : vector<1x16xf32> to vector<16xf32>
        %swap3A_346 = vector.shape_cast %mul3A_340 : vector<16xf32> to vector<1x16xf32>
        tpu.vector_store %arg7[%swap3A, %swap3A_343], %swap3A_346 {strides = array<i32>} : memref<128x208xf32, #tpu.memory_space<vmem>>, vector<1x16xf32>,
        %scan3A_347 = arith.constant 0 : i32
        scf.yield %scan3A_347 : i32
      }
      %scan3A_93 = arith.constant 64 : i32
      %add3A_94 = arith.constant 1 : i32
      %add3A_95 = arith.addi %mul3A_44, %add3A_94 : i32
      %add3A_96 = arith.constant 1 : i32
      %add3A_97 = arith.addi %add3A_95, %add3A_96 : i32
      %lt3A_98 = arith.constant 26 : i32
      %lt3A_99 = arith.cmpi slt, %add3A_97, %lt3A_98 : i32
      %convert_element_type3A_100 = arith.extui %lt3A_99 : i1 to i32
      %cond3A_101 = arith.constant 0 : i32
      %cond3A_102 = arith.cmpi ne, %convert_element_type3A_100, %cond3A_101 : i32
      scf.if %cond3A_102 {
        %add3A_156 = arith.constant 1 : i32
        %add3A_157 = arith.addi %add3A_95, %add3A_156 : i32
        %jit3A_158 = arith.constant 2 : i32
        %div3A_159 = arith.divsi %add3A_157, %jit3A_158 : i32
        %sign3A_160 = arith.constant 0 : i32
        %sign3A_161 = arith.cmpi sgt, %add3A_157, %sign3A_160 : i32
        %sign3A_162 = arith.extui %sign3A_161 : i1 to i32
        %sign3A_163 = arith.constant 0 : i32
        %sign3A_164 = arith.cmpi slt, %add3A_157, %sign3A_163 : i32
        %sign3A_165 = arith.extui %sign3A_164 : i1 to i32
        %sign3A_166 = arith.subi %sign3A_162, %sign3A_165 : i32
        %sign3A_167 = arith.constant 0 : i32
        %sign3A_168 = arith.cmpi sgt, %jit3A_158, %sign3A_167 : i32
        %sign3A_169 = arith.extui %sign3A_168 : i1 to i32
        %sign3A_170 = arith.constant 0 : i32
        %sign3A_171 = arith.cmpi slt, %jit3A_158, %sign3A_170 : i32
        %sign3A_172 = arith.extui %sign3A_171 : i1 to i32
        %sign3A_173 = arith.subi %sign3A_169, %sign3A_172 : i32
        %ne3A_174 = arith.cmpi ne, %sign3A_166, %sign3A_173 : i32
        %rem3A_175 = arith.remsi %add3A_157, %jit3A_158 : i32
        %ne3A_176 = arith.constant 0 : i32
        %ne3A_177 = arith.cmpi ne, %rem3A_175, %ne3A_176 : i32
        %and3A_178 = arith.andi %ne3A_174, %ne3A_177 : i1
        %sub3A_179 = arith.constant 1 : i32
        %sub3A_180 = arith.subi %div3A_159, %sub3A_179 : i32
        %select_n3A_181 = arith.select %and3A_178, %sub3A_180, %div3A_159 : i32
        %mul3A_182 = arith.constant 81920 : i32
        %mul3A_183 = arith.muli %select_n3A_181, %mul3A_182 : i32
        %mul3A_184 = arith.constant 20 : i32
        %mul3A_185 = arith.muli %mul3A_2, %mul3A_184 : i32
        %add3A_186 = arith.addi %mul3A_183, %mul3A_185 : i32
        %jit3A_187 = arith.constant 2 : i32
        %eq3A = arith.constant 0 : i32
        %eq3A_188 = arith.cmpi eq, %jit3A_187, %eq3A : i32
        %jit3A_189 = arith.constant 1 : i32
        %select_n3A_190 = arith.select %eq3A_188, %jit3A_189, %jit3A_187 : i32
        %rem3A_191 = arith.remsi %add3A_157, %select_n3A_190 : i32
        %ne3A_192 = arith.constant 0 : i32
        %ne3A_193 = arith.cmpi ne, %rem3A_191, %ne3A_192 : i32
        %lt3A_194 = arith.constant 0 : i32
        %lt3A_195 = arith.cmpi slt, %rem3A_191, %lt3A_194 : i32
        %lt3A_196 = arith.constant 0 : i32
        %lt3A_197 = arith.cmpi slt, %select_n3A_190, %lt3A_196 : i32
        %ne3A_198 = arith.xori %lt3A_195, %lt3A_197 : i1
        %and3A_199 = arith.andi %ne3A_198, %ne3A_193 : i1
        %add3A_200 = arith.addi %rem3A_191, %select_n3A_190 : i32
        %select_n3A_201 = arith.select %and3A_199, %add3A_200, %rem3A_191 : i32
        %mul3A_202 = arith.constant 1280 : i32
        %mul3A_203 = arith.muli %select_n3A_201, %mul3A_202 : i32
        %add3A_204 = arith.addi %add3A_186, %mul3A_203 : i32
        %dma_wait3A_205 = arith.constant 0 : i32
        %dma_wait3A_206 = arith.constant 0 : i32
        %dma_wait3A_207 = tpu.memref_slice %arg5[%dma_wait3A_205, %dma_wait3A_206] : memref<2x1280xi32, #tpu.memory_space<vmem>> -> memref<1x1280xi32, #tpu.memory_space<vmem>>
        %dma_wait3A_208 = tpu.memref_squeeze %dma_wait3A_207 : memref<1x1280xi32, #tpu.memory_space<vmem>> -> memref<1280xi32, #tpu.memory_space<vmem>>
        %dma_wait3A_209 = tpu.memref_slice %arg2[%add3A_204] : memref<1064960xi32, #tpu.memory_space<hbm>> -> memref<1280xi32, #tpu.memory_space<hbm>>
        %dma_wait3A_210 = arith.constant 0 : i32
        %dma_wait3A_211 = tpu.memref_slice %arg5[%dma_wait3A_205, %dma_wait3A_210] : memref<2x1280xi32, #tpu.memory_space<vmem>> -> memref<1x1280xi32, #tpu.memory_space<vmem>>
        %dma_wait3A_212 = tpu.memref_squeeze %dma_wait3A_211 : memref<1x1280xi32, #tpu.memory_space<vmem>> -> memref<1280xi32, #tpu.memory_space<vmem>>
        %dma_wait3A_213 = tpu.memref_slice %arg2[%add3A_204] : memref<1064960xi32, #tpu.memory_space<hbm>> -> memref<1280xi32, #tpu.memory_space<hbm>>
        tpu.wait_dma2 semaphore(%arg10 : memref<!tpu.dma_semaphore, #tpu.memory_space<semaphore_mem>>) src(%dma_wait3A_213 : memref<1280xi32, #tpu.memory_space<hbm>>) dst(%dma_wait3A_212 : memref<1280xi32, #tpu.memory_space<vmem>>)
        %dma_start3A_214 = arith.constant 0 : i32
        %dma_start3A_215 = arith.constant 0 : i32
        %dma_start3A_216 = arith.constant 0 : i32
        %dma_start3A_217 = arith.constant 0 : i32
        %dma_start3A_218 = tpu.memref_slice %arg6[%dma_start3A_215, %dma_start3A_216, %dma_start3A_217] : memref<2x1280x16xf32, #tpu.memory_space<vmem>> -> memref<1x1280x16xf32, #tpu.memory_space<vmem>>
        %dma_start3A_219 = tpu.memref_squeeze %dma_start3A_218 : memref<1x1280x16xf32, #tpu.memory_space<vmem>> -> memref<1280x16xf32, #tpu.memory_space<vmem>>
        %dma_start3A_220 = arith.constant 0 : i32
        %dma_start3A_221 = tpu.memref_slice %arg5[%dma_start3A_214, %dma_start3A_220] : memref<2x1280xi32, #tpu.memory_space<vmem>> -> memref<1x1280xi32, #tpu.memory_space<vmem>>
        %dma_start3A_222 = tpu.memref_squeeze %dma_start3A_221 : memref<1x1280xi32, #tpu.memory_space<vmem>> -> memref<1280xi32, #tpu.memory_space<vmem>>
        %dma_start3A_223 = arith.constant 0 : i32
        %dma_start3A_224 = arith.constant 0 : i32
        %dma_start3A_225 = tpu.memref_slice %arg3[%dma_start3A_223, %dma_start3A_224] : memref<1301248x16xf32, #tpu.memory_space<hbm>> -> memref<1301248x16xf32, #tpu.memory_space<hbm>>
        tpu.enqueue_indirect_dma source(%dma_start3A_225 : memref<1301248x16xf32, #tpu.memory_space<hbm>>) target(%dma_start3A_219 : memref<1280x16xf32, #tpu.memory_space<vmem>>) offsets(%dma_start3A_222 : memref<1280xi32, #tpu.memory_space<vmem>>) semaphore(%arg8 : memref<!tpu.dma_semaphore, #tpu.memory_space<semaphore_mem>>)
      } else {
      }
      %dma_wait3A_103 = arith.constant 1 : i32
      %dma_wait3A_104 = arith.constant 1 : i32
      %dma_wait3A_105 = arith.constant 0 : i32
      %dma_wait3A_106 = arith.constant 0 : i32
      %dma_wait3A_107 = tpu.memref_slice %arg6[%dma_wait3A_104, %dma_wait3A_105, %dma_wait3A_106] : memref<2x1280x16xf32, #tpu.memory_space<vmem>> -> memref<1x1280x16xf32, #tpu.memory_space<vmem>>
      %dma_wait3A_108 = tpu.memref_squeeze %dma_wait3A_107 : memref<1x1280x16xf32, #tpu.memory_space<vmem>> -> memref<1280x16xf32, #tpu.memory_space<vmem>>
      %dma_wait3A_109 = arith.constant 0 : i32
      %dma_wait3A_110 = tpu.memref_slice %arg5[%dma_wait3A_103, %dma_wait3A_109] : memref<2x1280xi32, #tpu.memory_space<vmem>> -> memref<1x1280xi32, #tpu.memory_space<vmem>>
      %dma_wait3A_111 = tpu.memref_squeeze %dma_wait3A_110 : memref<1x1280xi32, #tpu.memory_space<vmem>> -> memref<1280xi32, #tpu.memory_space<vmem>>
      %dma_wait3A_112 = arith.constant 0 : i32
      %dma_wait3A_113 = arith.constant 0 : i32
      %dma_wait3A_114 = tpu.memref_slice %arg3[%dma_wait3A_112, %dma_wait3A_113] : memref<1301248x16xf32, #tpu.memory_space<hbm>> -> memref<1301248x16xf32, #tpu.memory_space<hbm>>
      tpu.wait_indirect_dma semaphore(%arg9 : memref<!tpu.dma_semaphore, #tpu.memory_space<semaphore_mem>>) src(%dma_wait3A_114 : memref<1301248x16xf32, #tpu.memory_space<hbm>>) dst(%dma_wait3A_108 : memref<1280x16xf32, #tpu.memory_space<vmem>>)
      %add3A_115 = arith.constant 2 : i32
      %add3A_116 = arith.addi %add3A_95, %add3A_115 : i32
      %lt3A_117 = arith.constant 26 : i32
      %lt3A_118 = arith.cmpi slt, %add3A_116, %lt3A_117 : i32
      %convert_element_type3A_119 = arith.extui %lt3A_118 : i1 to i32
      %cond3A_120 = arith.constant 0 : i32
      %cond3A_121 = arith.cmpi ne, %convert_element_type3A_119, %cond3A_120 : i32
      scf.if %cond3A_121 {
        %add3A_156 = arith.constant 2 : i32
        %add3A_157 = arith.addi %add3A_95, %add3A_156 : i32
        %jit3A_158 = arith.constant 2 : i32
        %div3A_159 = arith.divsi %add3A_157, %jit3A_158 : i32
        %sign3A_160 = arith.constant 0 : i32
        %sign3A_161 = arith.cmpi sgt, %add3A_157, %sign3A_160 : i32
        %sign3A_162 = arith.extui %sign3A_161 : i1 to i32
        %sign3A_163 = arith.constant 0 : i32
        %sign3A_164 = arith.cmpi slt, %add3A_157, %sign3A_163 : i32
        %sign3A_165 = arith.extui %sign3A_164 : i1 to i32
        %sign3A_166 = arith.subi %sign3A_162, %sign3A_165 : i32
        %sign3A_167 = arith.constant 0 : i32
        %sign3A_168 = arith.cmpi sgt, %jit3A_158, %sign3A_167 : i32
        %sign3A_169 = arith.extui %sign3A_168 : i1 to i32
        %sign3A_170 = arith.constant 0 : i32
        %sign3A_171 = arith.cmpi slt, %jit3A_158, %sign3A_170 : i32
        %sign3A_172 = arith.extui %sign3A_171 : i1 to i32
        %sign3A_173 = arith.subi %sign3A_169, %sign3A_172 : i32
        %ne3A_174 = arith.cmpi ne, %sign3A_166, %sign3A_173 : i32
        %rem3A_175 = arith.remsi %add3A_157, %jit3A_158 : i32
        %ne3A_176 = arith.constant 0 : i32
        %ne3A_177 = arith.cmpi ne, %rem3A_175, %ne3A_176 : i32
        %and3A_178 = arith.andi %ne3A_174, %ne3A_177 : i1
        %sub3A_179 = arith.constant 1 : i32
        %sub3A_180 = arith.subi %div3A_159, %sub3A_179 : i32
        %select_n3A_181 = arith.select %and3A_178, %sub3A_180, %div3A_159 : i32
        %mul3A_182 = arith.constant 81920 : i32
        %mul3A_183 = arith.muli %select_n3A_181, %mul3A_182 : i32
        %mul3A_184 = arith.constant 20 : i32
        %mul3A_185 = arith.muli %mul3A_2, %mul3A_184 : i32
        %add3A_186 = arith.addi %mul3A_183, %mul3A_185 : i32
        %jit3A_187 = arith.constant 2 : i32
        %eq3A = arith.constant 0 : i32
        %eq3A_188 = arith.cmpi eq, %jit3A_187, %eq3A : i32
        %jit3A_189 = arith.constant 1 : i32
        %select_n3A_190 = arith.select %eq3A_188, %jit3A_189, %jit3A_187 : i32
        %rem3A_191 = arith.remsi %add3A_157, %select_n3A_190 : i32
        %ne3A_192 = arith.constant 0 : i32
        %ne3A_193 = arith.cmpi ne, %rem3A_191, %ne3A_192 : i32
        %lt3A_194 = arith.constant 0 : i32
        %lt3A_195 = arith.cmpi slt, %rem3A_191, %lt3A_194 : i32
        %lt3A_196 = arith.constant 0 : i32
        %lt3A_197 = arith.cmpi slt, %select_n3A_190, %lt3A_196 : i32
        %ne3A_198 = arith.xori %lt3A_195, %lt3A_197 : i1
        %and3A_199 = arith.andi %ne3A_198, %ne3A_193 : i1
        %add3A_200 = arith.addi %rem3A_191, %select_n3A_190 : i32
        %select_n3A_201 = arith.select %and3A_199, %add3A_200, %rem3A_191 : i32
        %mul3A_202 = arith.constant 1280 : i32
        %mul3A_203 = arith.muli %select_n3A_201, %mul3A_202 : i32
        %add3A_204 = arith.addi %add3A_186, %mul3A_203 : i32
        %dma_start3A_205 = arith.constant 1 : i32
        %dma_start3A_206 = arith.constant 0 : i32
        %dma_start3A_207 = tpu.memref_slice %arg5[%dma_start3A_205, %dma_start3A_206] : memref<2x1280xi32, #tpu.memory_space<vmem>> -> memref<1x1280xi32, #tpu.memory_space<vmem>>
        %dma_start3A_208 = tpu.memref_squeeze %dma_start3A_207 : memref<1x1280xi32, #tpu.memory_space<vmem>> -> memref<1280xi32, #tpu.memory_space<vmem>>
        %dma_start3A_209 = tpu.memref_slice %arg2[%add3A_204] : memref<1064960xi32, #tpu.memory_space<hbm>> -> memref<1280xi32, #tpu.memory_space<hbm>>
        %dma_start3A_210 = arith.constant 0 : i32
        %dma_start3A_211 = tpu.memref_slice %arg5[%dma_start3A_205, %dma_start3A_210] : memref<2x1280xi32, #tpu.memory_space<vmem>> -> memref<1x1280xi32, #tpu.memory_space<vmem>>
        %dma_start3A_212 = tpu.memref_squeeze %dma_start3A_211 : memref<1x1280xi32, #tpu.memory_space<vmem>> -> memref<1280xi32, #tpu.memory_space<vmem>>
        %dma_start3A_213 = tpu.memref_slice %arg2[%add3A_204] : memref<1064960xi32, #tpu.memory_space<hbm>> -> memref<1280xi32, #tpu.memory_space<hbm>>
        tpu.enqueue_dma source(%dma_start3A_213 : memref<1280xi32, #tpu.memory_space<hbm>>) target(%dma_start3A_212 : memref<1280xi32, #tpu.memory_space<vmem>>) target_semaphore(%arg11 : memref<!tpu.dma_semaphore, #tpu.memory_space<semaphore_mem>>)
      } else {
      }
      %jit3A_122 = arith.constant 2 : i32
      %div3A_123 = arith.divsi %add3A_95, %jit3A_122 : i32
      %sign3A_124 = arith.constant 0 : i32
      %sign3A_125 = arith.cmpi sgt, %add3A_95, %sign3A_124 : i32
      %sign3A_126 = arith.extui %sign3A_125 : i1 to i32
      %sign3A_127 = arith.constant 0 : i32
      %sign3A_128 = arith.cmpi slt, %add3A_95, %sign3A_127 : i32
      %sign3A_129 = arith.extui %sign3A_128 : i1 to i32
      %sign3A_130 = arith.subi %sign3A_126, %sign3A_129 : i32
      %sign3A_131 = arith.constant 0 : i32
      %sign3A_132 = arith.cmpi sgt, %jit3A_122, %sign3A_131 : i32
      %sign3A_133 = arith.extui %sign3A_132 : i1 to i32
      %sign3A_134 = arith.constant 0 : i32
      %sign3A_135 = arith.cmpi slt, %jit3A_122, %sign3A_134 : i32
      %sign3A_136 = arith.extui %sign3A_135 : i1 to i32
      %sign3A_137 = arith.subi %sign3A_133, %sign3A_136 : i32
      %ne3A_138 = arith.cmpi ne, %sign3A_130, %sign3A_137 : i32
      %rem3A_139 = arith.remsi %add3A_95, %jit3A_122 : i32
      %ne3A_140 = arith.constant 0 : i32
      %ne3A_141 = arith.cmpi ne, %rem3A_139, %ne3A_140 : i32
      %and3A_142 = arith.andi %ne3A_138, %ne3A_141 : i1
      %sub3A_143 = arith.constant 1 : i32
      %sub3A_144 = arith.subi %div3A_123, %sub3A_143 : i32
      %select_n3A_145 = arith.select %and3A_142, %sub3A_144, %div3A_123 : i32
      %mul3A_146 = arith.constant 16 : i32
      %mul3A_147 = arith.muli %select_n3A_145, %mul3A_146 : i32
      %scan3A_148 = arith.constant 0 : i32
      %scan3A_149 = arith.constant 0 : i32
      %scan3A_150 = arith.constant 64 : i32
      %scan3A_151 = arith.addi %scan3A_149, %scan3A_150 : i32
      %scan3A_152 = arith.constant 1 : i32
      %scan3A_153 = scf.for %scan3A_156 = %scan3A_149 to %scan3A_151 step %scan3A_152 iter_args(%scan3A_157 = %scan3A_148) -> (i32)  : i32 {
        %mul3A_158 = arith.constant 20 : i32
        %mul3A_159 = arith.muli %scan3A_156, %mul3A_158 : i32
        %add3A_160 = arith.constant 0 : i32
        %add3A_161 = arith.addi %mul3A_159, %add3A_160 : i32
        %get3A = arith.constant 1 : i32
        %get3A_162 = arith.index_cast %get3A : i32 to index
        %get3A_163 = arith.index_cast %add3A_161 : i32 to index
        %get3A_164 = arith.constant 0 : index
        %get3A_165 = tpu.vector_load %arg6[%get3A_162, %get3A_163, %get3A_164] {strides = array<i32>} : memref<2x1280x16xf32, #tpu.memory_space<vmem>>, vector<1x1x16xf32>,
        %get3A_166 = vector.shape_cast %get3A_165 : vector<1x1x16xf32> to vector<16xf32>
        %add3A_167 = arith.constant 1 : i32
        %add3A_168 = arith.addi %mul3A_159, %add3A_167 : i32
        %get3A_169 = arith.constant 1 : i32
        %get3A_170 = arith.index_cast %get3A_169 : i32 to index
        %get3A_171 = arith.index_cast %add3A_168 : i32 to index
        %get3A_172 = arith.constant 0 : index
        %get3A_173 = tpu.vector_load %arg6[%get3A_170, %get3A_171, %get3A_172] {strides = array<i32>} : memref<2x1280x16xf32, #tpu.memory_space<vmem>>, vector<1x1x16xf32>,
        %get3A_174 = vector.shape_cast %get3A_173 : vector<1x1x16xf32> to vector<16xf32>
        %add3A_175 = arith.constant 2 : i32
        %add3A_176 = arith.addi %mul3A_159, %add3A_175 : i32
        %get3A_177 = arith.constant 1 : i32
        %get3A_178 = arith.index_cast %get3A_177 : i32 to index
        %get3A_179 = arith.index_cast %add3A_176 : i32 to index
        %get3A_180 = arith.constant 0 : index
        %get3A_181 = tpu.vector_load %arg6[%get3A_178, %get3A_179, %get3A_180] {strides = array<i32>} : memref<2x1280x16xf32, #tpu.memory_space<vmem>>, vector<1x1x16xf32>,
        %get3A_182 = vector.shape_cast %get3A_181 : vector<1x1x16xf32> to vector<16xf32>
        %add3A_183 = arith.constant 3 : i32
        %add3A_184 = arith.addi %mul3A_159, %add3A_183 : i32
        %get3A_185 = arith.constant 1 : i32
        %get3A_186 = arith.index_cast %get3A_185 : i32 to index
        %get3A_187 = arith.index_cast %add3A_184 : i32 to index
        %get3A_188 = arith.constant 0 : index
        %get3A_189 = tpu.vector_load %arg6[%get3A_186, %get3A_187, %get3A_188] {strides = array<i32>} : memref<2x1280x16xf32, #tpu.memory_space<vmem>>, vector<1x1x16xf32>,
        %get3A_190 = vector.shape_cast %get3A_189 : vector<1x1x16xf32> to vector<16xf32>
        %add3A_191 = arith.constant 4 : i32
        %add3A_192 = arith.addi %mul3A_159, %add3A_191 : i32
        %get3A_193 = arith.constant 1 : i32
        %get3A_194 = arith.index_cast %get3A_193 : i32 to index
        %get3A_195 = arith.index_cast %add3A_192 : i32 to index
        %get3A_196 = arith.constant 0 : index
        %get3A_197 = tpu.vector_load %arg6[%get3A_194, %get3A_195, %get3A_196] {strides = array<i32>} : memref<2x1280x16xf32, #tpu.memory_space<vmem>>, vector<1x1x16xf32>,
        %get3A_198 = vector.shape_cast %get3A_197 : vector<1x1x16xf32> to vector<16xf32>
        %add3A_199 = arith.constant 5 : i32
        %add3A_200 = arith.addi %mul3A_159, %add3A_199 : i32
        %get3A_201 = arith.constant 1 : i32
        %get3A_202 = arith.index_cast %get3A_201 : i32 to index
        %get3A_203 = arith.index_cast %add3A_200 : i32 to index
        %get3A_204 = arith.constant 0 : index
        %get3A_205 = tpu.vector_load %arg6[%get3A_202, %get3A_203, %get3A_204] {strides = array<i32>} : memref<2x1280x16xf32, #tpu.memory_space<vmem>>, vector<1x1x16xf32>,
        %get3A_206 = vector.shape_cast %get3A_205 : vector<1x1x16xf32> to vector<16xf32>
        %add3A_207 = arith.constant 6 : i32
        %add3A_208 = arith.addi %mul3A_159, %add3A_207 : i32
        %get3A_209 = arith.constant 1 : i32
        %get3A_210 = arith.index_cast %get3A_209 : i32 to index
        %get3A_211 = arith.index_cast %add3A_208 : i32 to index
        %get3A_212 = arith.constant 0 : index
        %get3A_213 = tpu.vector_load %arg6[%get3A_210, %get3A_211, %get3A_212] {strides = array<i32>} : memref<2x1280x16xf32, #tpu.memory_space<vmem>>, vector<1x1x16xf32>,
        %get3A_214 = vector.shape_cast %get3A_213 : vector<1x1x16xf32> to vector<16xf32>
        %add3A_215 = arith.constant 7 : i32
        %add3A_216 = arith.addi %mul3A_159, %add3A_215 : i32
        %get3A_217 = arith.constant 1 : i32
        %get3A_218 = arith.index_cast %get3A_217 : i32 to index
        %get3A_219 = arith.index_cast %add3A_216 : i32 to index
        %get3A_220 = arith.constant 0 : index
        %get3A_221 = tpu.vector_load %arg6[%get3A_218, %get3A_219, %get3A_220] {strides = array<i32>} : memref<2x1280x16xf32, #tpu.memory_space<vmem>>, vector<1x1x16xf32>,
        %get3A_222 = vector.shape_cast %get3A_221 : vector<1x1x16xf32> to vector<16xf32>
        %add3A_223 = arith.constant 8 : i32
        %add3A_224 = arith.addi %mul3A_159, %add3A_223 : i32
        %get3A_225 = arith.constant 1 : i32
        %get3A_226 = arith.index_cast %get3A_225 : i32 to index
        %get3A_227 = arith.index_cast %add3A_224 : i32 to index
        %get3A_228 = arith.constant 0 : index
        %get3A_229 = tpu.vector_load %arg6[%get3A_226, %get3A_227, %get3A_228] {strides = array<i32>} : memref<2x1280x16xf32, #tpu.memory_space<vmem>>, vector<1x1x16xf32>,
        %get3A_230 = vector.shape_cast %get3A_229 : vector<1x1x16xf32> to vector<16xf32>
        %add3A_231 = arith.constant 9 : i32
        %add3A_232 = arith.addi %mul3A_159, %add3A_231 : i32
        %get3A_233 = arith.constant 1 : i32
        %get3A_234 = arith.index_cast %get3A_233 : i32 to index
        %get3A_235 = arith.index_cast %add3A_232 : i32 to index
        %get3A_236 = arith.constant 0 : index
        %get3A_237 = tpu.vector_load %arg6[%get3A_234, %get3A_235, %get3A_236] {strides = array<i32>} : memref<2x1280x16xf32, #tpu.memory_space<vmem>>, vector<1x1x16xf32>,
        %get3A_238 = vector.shape_cast %get3A_237 : vector<1x1x16xf32> to vector<16xf32>
        %add3A_239 = arith.constant 10 : i32
        %add3A_240 = arith.addi %mul3A_159, %add3A_239 : i32
        %get3A_241 = arith.constant 1 : i32
        %get3A_242 = arith.index_cast %get3A_241 : i32 to index
        %get3A_243 = arith.index_cast %add3A_240 : i32 to index
        %get3A_244 = arith.constant 0 : index
        %get3A_245 = tpu.vector_load %arg6[%get3A_242, %get3A_243, %get3A_244] {strides = array<i32>} : memref<2x1280x16xf32, #tpu.memory_space<vmem>>, vector<1x1x16xf32>,
        %get3A_246 = vector.shape_cast %get3A_245 : vector<1x1x16xf32> to vector<16xf32>
        %add3A_247 = arith.constant 11 : i32
        %add3A_248 = arith.addi %mul3A_159, %add3A_247 : i32
        %get3A_249 = arith.constant 1 : i32
        %get3A_250 = arith.index_cast %get3A_249 : i32 to index
        %get3A_251 = arith.index_cast %add3A_248 : i32 to index
        %get3A_252 = arith.constant 0 : index
        %get3A_253 = tpu.vector_load %arg6[%get3A_250, %get3A_251, %get3A_252] {strides = array<i32>} : memref<2x1280x16xf32, #tpu.memory_space<vmem>>, vector<1x1x16xf32>,
        %get3A_254 = vector.shape_cast %get3A_253 : vector<1x1x16xf32> to vector<16xf32>
        %add3A_255 = arith.constant 12 : i32
        %add3A_256 = arith.addi %mul3A_159, %add3A_255 : i32
        %get3A_257 = arith.constant 1 : i32
        %get3A_258 = arith.index_cast %get3A_257 : i32 to index
        %get3A_259 = arith.index_cast %add3A_256 : i32 to index
        %get3A_260 = arith.constant 0 : index
        %get3A_261 = tpu.vector_load %arg6[%get3A_258, %get3A_259, %get3A_260] {strides = array<i32>} : memref<2x1280x16xf32, #tpu.memory_space<vmem>>, vector<1x1x16xf32>,
        %get3A_262 = vector.shape_cast %get3A_261 : vector<1x1x16xf32> to vector<16xf32>
        %add3A_263 = arith.constant 13 : i32
        %add3A_264 = arith.addi %mul3A_159, %add3A_263 : i32
        %get3A_265 = arith.constant 1 : i32
        %get3A_266 = arith.index_cast %get3A_265 : i32 to index
        %get3A_267 = arith.index_cast %add3A_264 : i32 to index
        %get3A_268 = arith.constant 0 : index
        %get3A_269 = tpu.vector_load %arg6[%get3A_266, %get3A_267, %get3A_268] {strides = array<i32>} : memref<2x1280x16xf32, #tpu.memory_space<vmem>>, vector<1x1x16xf32>,
        %get3A_270 = vector.shape_cast %get3A_269 : vector<1x1x16xf32> to vector<16xf32>
        %add3A_271 = arith.constant 14 : i32
        %add3A_272 = arith.addi %mul3A_159, %add3A_271 : i32
        %get3A_273 = arith.constant 1 : i32
        %get3A_274 = arith.index_cast %get3A_273 : i32 to index
        %get3A_275 = arith.index_cast %add3A_272 : i32 to index
        %get3A_276 = arith.constant 0 : index
        %get3A_277 = tpu.vector_load %arg6[%get3A_274, %get3A_275, %get3A_276] {strides = array<i32>} : memref<2x1280x16xf32, #tpu.memory_space<vmem>>, vector<1x1x16xf32>,
        %get3A_278 = vector.shape_cast %get3A_277 : vector<1x1x16xf32> to vector<16xf32>
        %add3A_279 = arith.constant 15 : i32
        %add3A_280 = arith.addi %mul3A_159, %add3A_279 : i32
        %get3A_281 = arith.constant 1 : i32
        %get3A_282 = arith.index_cast %get3A_281 : i32 to index
        %get3A_283 = arith.index_cast %add3A_280 : i32 to index
        %get3A_284 = arith.constant 0 : index
        %get3A_285 = tpu.vector_load %arg6[%get3A_282, %get3A_283, %get3A_284] {strides = array<i32>} : memref<2x1280x16xf32, #tpu.memory_space<vmem>>, vector<1x1x16xf32>,
        %get3A_286 = vector.shape_cast %get3A_285 : vector<1x1x16xf32> to vector<16xf32>
        %add3A_287 = arith.constant 16 : i32
        %add3A_288 = arith.addi %mul3A_159, %add3A_287 : i32
        %get3A_289 = arith.constant 1 : i32
        %get3A_290 = arith.index_cast %get3A_289 : i32 to index
        %get3A_291 = arith.index_cast %add3A_288 : i32 to index
        %get3A_292 = arith.constant 0 : index
        %get3A_293 = tpu.vector_load %arg6[%get3A_290, %get3A_291, %get3A_292] {strides = array<i32>} : memref<2x1280x16xf32, #tpu.memory_space<vmem>>, vector<1x1x16xf32>,
        %get3A_294 = vector.shape_cast %get3A_293 : vector<1x1x16xf32> to vector<16xf32>
        %add3A_295 = arith.constant 17 : i32
        %add3A_296 = arith.addi %mul3A_159, %add3A_295 : i32
        %get3A_297 = arith.constant 1 : i32
        %get3A_298 = arith.index_cast %get3A_297 : i32 to index
        %get3A_299 = arith.index_cast %add3A_296 : i32 to index
        %get3A_300 = arith.constant 0 : index
        %get3A_301 = tpu.vector_load %arg6[%get3A_298, %get3A_299, %get3A_300] {strides = array<i32>} : memref<2x1280x16xf32, #tpu.memory_space<vmem>>, vector<1x1x16xf32>,
        %get3A_302 = vector.shape_cast %get3A_301 : vector<1x1x16xf32> to vector<16xf32>
        %add3A_303 = arith.constant 18 : i32
        %add3A_304 = arith.addi %mul3A_159, %add3A_303 : i32
        %get3A_305 = arith.constant 1 : i32
        %get3A_306 = arith.index_cast %get3A_305 : i32 to index
        %get3A_307 = arith.index_cast %add3A_304 : i32 to index
        %get3A_308 = arith.constant 0 : index
        %get3A_309 = tpu.vector_load %arg6[%get3A_306, %get3A_307, %get3A_308] {strides = array<i32>} : memref<2x1280x16xf32, #tpu.memory_space<vmem>>, vector<1x1x16xf32>,
        %get3A_310 = vector.shape_cast %get3A_309 : vector<1x1x16xf32> to vector<16xf32>
        %add3A_311 = arith.constant 19 : i32
        %add3A_312 = arith.addi %mul3A_159, %add3A_311 : i32
        %get3A_313 = arith.constant 1 : i32
        %get3A_314 = arith.index_cast %get3A_313 : i32 to index
        %get3A_315 = arith.index_cast %add3A_312 : i32 to index
        %get3A_316 = arith.constant 0 : index
        %get3A_317 = tpu.vector_load %arg6[%get3A_314, %get3A_315, %get3A_316] {strides = array<i32>} : memref<2x1280x16xf32, #tpu.memory_space<vmem>>, vector<1x1x16xf32>,
        %get3A_318 = vector.shape_cast %get3A_317 : vector<1x1x16xf32> to vector<16xf32>
        %add3A_319 = arith.addf %get3A_166, %get3A_174 : vector<16xf32>
        %add3A_320 = arith.addf %get3A_182, %get3A_190 : vector<16xf32>
        %add3A_321 = arith.addf %get3A_198, %get3A_206 : vector<16xf32>
        %add3A_322 = arith.addf %get3A_214, %get3A_222 : vector<16xf32>
        %add3A_323 = arith.addf %get3A_230, %get3A_238 : vector<16xf32>
        %add3A_324 = arith.addf %get3A_246, %get3A_254 : vector<16xf32>
        %add3A_325 = arith.addf %get3A_262, %get3A_270 : vector<16xf32>
        %add3A_326 = arith.addf %get3A_278, %get3A_286 : vector<16xf32>
        %add3A_327 = arith.addf %get3A_294, %get3A_302 : vector<16xf32>
        %add3A_328 = arith.addf %get3A_310, %get3A_318 : vector<16xf32>
        %add3A_329 = arith.addf %add3A_319, %add3A_320 : vector<16xf32>
        %add3A_330 = arith.addf %add3A_321, %add3A_322 : vector<16xf32>
        %add3A_331 = arith.addf %add3A_323, %add3A_324 : vector<16xf32>
        %add3A_332 = arith.addf %add3A_325, %add3A_326 : vector<16xf32>
        %add3A_333 = arith.addf %add3A_327, %add3A_328 : vector<16xf32>
        %add3A_334 = arith.addf %add3A_329, %add3A_330 : vector<16xf32>
        %add3A_335 = arith.addf %add3A_331, %add3A_332 : vector<16xf32>
        %add3A_336 = arith.addf %add3A_334, %add3A_335 : vector<16xf32>
        %add3A_337 = arith.addf %add3A_336, %add3A_333 : vector<16xf32>
        %mul3A_338 = arith.constant 5.000000e-02 : f32
        %mul3A_339 = vector.broadcast %mul3A_338 : f32 to vector<16xf32>
        %mul3A_340 = arith.mulf %add3A_337, %mul3A_339 : vector<16xf32>
        %add3A_341 = arith.constant 64 : i32
        %add3A_342 = arith.addi %add3A_341, %scan3A_156 : i32
        %swap3A = arith.index_cast %add3A_342 : i32 to index
        %swap3A_343 = arith.index_cast %mul3A_147 : i32 to index
        %swap3A_344 = tpu.vector_load %arg7[%swap3A, %swap3A_343] {strides = array<i32>} : memref<128x208xf32, #tpu.memory_space<vmem>>, vector<1x16xf32>,
        %swap3A_345 = vector.shape_cast %swap3A_344 : vector<1x16xf32> to vector<16xf32>
        %swap3A_346 = vector.shape_cast %mul3A_340 : vector<16xf32> to vector<1x16xf32>
        tpu.vector_store %arg7[%swap3A, %swap3A_343], %swap3A_346 {strides = array<i32>} : memref<128x208xf32, #tpu.memory_space<vmem>>, vector<1x16xf32>,
        %scan3A_347 = arith.constant 0 : i32
        scf.yield %scan3A_347 : i32
      }
      %scan3A_154 = arith.constant 64 : i32
      %scan3A_155 = arith.constant 0 : i32
      scf.yield %scan3A_155 : i32
    }
    %scan3A_40 = arith.constant 13 : i32
    "tpu.region"() ({
      %run_scoped3A_41 = tpu.sem_alloc : memref<!tpu.dma_semaphore, #tpu.memory_space<semaphore_mem>>
      %dma_start3A_42 = arith.constant 0 : i32
      %dma_start3A_43 = tpu.memref_slice %arg4[%mul3A_2, %dma_start3A_42] : memref<4096x208xf32, #tpu.memory_space<hbm>> -> memref<128x208xf32, #tpu.memory_space<hbm>>
      %dma_start3A_44 = arith.constant 0 : i32
      %dma_start3A_45 = tpu.memref_slice %arg4[%mul3A_2, %dma_start3A_44] : memref<4096x208xf32, #tpu.memory_space<hbm>> -> memref<128x208xf32, #tpu.memory_space<hbm>>
      tpu.enqueue_dma source(%arg7 : memref<128x208xf32, #tpu.memory_space<vmem>>) target(%dma_start3A_45 : memref<128x208xf32, #tpu.memory_space<hbm>>) target_semaphore(%run_scoped3A_41 : memref<!tpu.dma_semaphore, #tpu.memory_space<semaphore_mem>>)
      %dma_wait3A = arith.constant 0 : i32
      %dma_wait3A_46 = tpu.memref_slice %arg4[%mul3A_2, %dma_wait3A] : memref<4096x208xf32, #tpu.memory_space<hbm>> -> memref<128x208xf32, #tpu.memory_space<hbm>>
      %dma_wait3A_47 = arith.constant 0 : i32
      %dma_wait3A_48 = tpu.memref_slice %arg4[%mul3A_2, %dma_wait3A_47] : memref<4096x208xf32, #tpu.memory_space<hbm>> -> memref<128x208xf32, #tpu.memory_space<hbm>>
      tpu.wait_dma2 semaphore(%run_scoped3A_41 : memref<!tpu.dma_semaphore, #tpu.memory_space<semaphore_mem>>) src(%arg7 : memref<128x208xf32, #tpu.memory_space<vmem>>) dst(%dma_wait3A_48 : memref<128x208xf32, #tpu.memory_space<hbm>>)
      tpu.yield
    }) : () -> ()
    return
  }
}

module attributes {stable_mosaic.version = 14 : i64} {
  func.func @_detile_body(%arg0: i32, %arg1: i32, %arg2: memref<1x16x5888xf32, #tpu.memory_space<vmem>>, %arg3: memref<736x128xf32, #tpu.memory_space<vmem>>) attributes {dimension_semantics = [#tpu.dimension_semantics<arbitrary>, #tpu.dimension_semantics<arbitrary>], iteration_bounds = array<i64: 13, 17>, scalar_prefetch = 0 : i64, scratch_operands = 0 : i64, tpu.core_type = #tpu.core_type<tc>, window_params = [{transform_indices = @transform_0, window_bounds = array<i64: 1, 16, 5888>}, {transform_indices = @transform_1, window_bounds = array<i64: 736, 128>}]} {
    %get3A = arith.constant 0 : index
    %get3A_0 = arith.constant 0 : index
    %get3A_1 = arith.constant 0 : index
    %get3A_2 = vector.load %arg2[%get3A, %get3A_0, %get3A_1] : memref<1x16x5888xf32, #tpu.memory_space<vmem>>, vector<1x16x5888xf32>
    %get3A_3 = vector.shape_cast %get3A_2 : vector<1x16x5888xf32> to vector<16x5888xf32>
    %transpose3A = tpu.transpose %get3A_3, [1, 0] : vector<16x5888xf32> -> vector<5888x16xf32>
    %reshape3A = vector.shape_cast %transpose3A : vector<5888x16xf32> to vector<92x8x8x16xf32>
    %add3A = arith.constant 0.000000e+00 : f32
    %add3A_4 = vector.broadcast %add3A : f32 to vector<92x8x8x16xf32>
    %add3A_5 = arith.addf %reshape3A, %add3A_4 : vector<92x8x8x16xf32>
    %reshape3A_6 = vector.shape_cast %add3A_5 : vector<92x8x8x16xf32> to vector<736x128xf32>
    %swap3A = arith.constant 0 : index
    %swap3A_7 = arith.constant 0 : index
    %swap3A_8 = vector.load %arg3[%swap3A, %swap3A_7] : memref<736x128xf32, #tpu.memory_space<vmem>>, vector<736x128xf32>
    tpu.vector_store %arg3[%swap3A, %swap3A_7], %reshape3A_6 {strides = array<i32>} : memref<736x128xf32, #tpu.memory_space<vmem>>, vector<736x128xf32>,
    return
  }
  func.func @transform_0(%arg0: i32, %arg1: i32) -> (i32, i32, i32) {
    %add3A = arith.constant 13 : i32
    %add3A_0 = arith.addi %add3A, %arg0 : i32
    %c0_i32 = arith.constant 0 : i32
    %c0_i32_1 = arith.constant 0 : i32
    return %add3A_0, %c0_i32, %arg1 : i32, i32, i32
  }
  func.func @transform_1(%arg0: i32, %arg1: i32) -> (i32, i32) {
    %mul3A = arith.constant 17 : i32
    %mul3A_0 = arith.muli %arg0, %mul3A : i32
    %add3A = arith.addi %mul3A_0, %arg1 : i32
    %c0_i32 = arith.constant 0 : i32
    %c0_i32_1 = arith.constant 0 : i32
    return %add3A, %c0_i32 : i32, i32
  }
}

module attributes {stable_mosaic.version = 14 : i64} {
  func.func @_detile_body(%arg0: i32, %arg1: i32, %arg2: memref<1x16x5888xf32, #tpu.memory_space<vmem>>, %arg3: memref<736x128xf32, #tpu.memory_space<vmem>>) attributes {dimension_semantics = [#tpu.dimension_semantics<arbitrary>, #tpu.dimension_semantics<arbitrary>], iteration_bounds = array<i64: 13, 17>, scalar_prefetch = 0 : i64, scratch_operands = 0 : i64, tpu.core_type = #tpu.core_type<tc>, window_params = [{transform_indices = @transform_0, window_bounds = array<i64: 1, 16, 5888>}, {transform_indices = @transform_1, window_bounds = array<i64: 736, 128>}]} {
    %get3A = arith.constant 0 : index
    %get3A_0 = arith.constant 0 : index
    %get3A_1 = arith.constant 0 : index
    %get3A_2 = vector.load %arg2[%get3A, %get3A_0, %get3A_1] : memref<1x16x5888xf32, #tpu.memory_space<vmem>>, vector<1x16x5888xf32>
    %get3A_3 = vector.shape_cast %get3A_2 : vector<1x16x5888xf32> to vector<16x5888xf32>
    %transpose3A = tpu.transpose %get3A_3, [1, 0] : vector<16x5888xf32> -> vector<5888x16xf32>
    %reshape3A = vector.shape_cast %transpose3A : vector<5888x16xf32> to vector<92x8x8x16xf32>
    %add3A = arith.constant 0.000000e+00 : f32
    %add3A_4 = vector.broadcast %add3A : f32 to vector<92x8x8x16xf32>
    %add3A_5 = arith.addf %reshape3A, %add3A_4 : vector<92x8x8x16xf32>
    %reshape3A_6 = vector.shape_cast %add3A_5 : vector<92x8x8x16xf32> to vector<736x128xf32>
    %swap3A = arith.constant 0 : index
    %swap3A_7 = arith.constant 0 : index
    %swap3A_8 = vector.load %arg3[%swap3A, %swap3A_7] : memref<736x128xf32, #tpu.memory_space<vmem>>, vector<736x128xf32>
    tpu.vector_store %arg3[%swap3A, %swap3A_7], %reshape3A_6 {strides = array<i32>} : memref<736x128xf32, #tpu.memory_space<vmem>>, vector<736x128xf32>,
    return
  }
  func.func @transform_0(%arg0: i32, %arg1: i32) -> (i32, i32, i32) {
    %add3A = arith.constant 0 : i32
    %add3A_0 = arith.addi %add3A, %arg0 : i32
    %c0_i32 = arith.constant 0 : i32
    %c0_i32_1 = arith.constant 0 : i32
    return %add3A_0, %c0_i32, %arg1 : i32, i32, i32
  }
  func.func @transform_1(%arg0: i32, %arg1: i32) -> (i32, i32) {
    %mul3A = arith.constant 17 : i32
    %mul3A_0 = arith.muli %arg0, %mul3A : i32
    %add3A = arith.addi %mul3A_0, %arg1 : i32
    %c0_i32 = arith.constant 0 : i32
    %c0_i32_1 = arith.constant 0 : i32
    return %add3A, %c0_i32 : i32, i32
  }
}

</mosaic_0001>

<sc_bundles>
// kernel: kernel.6.cloned.1.call-start
scs
__scs_entry_jumppad:
0x0: {  	(pc) =	sbr.rel $0x88, $3  }
0x1: {  	(tag) =	ssettag $0x0;
	lr =	simm.s32 $0x1  }
0x2: {  	[smem:$0x3F9F] =	sst lr;
	_ =	strace $0xD0000000  }
0x3: {  	_ = 	snop  }
0x4: {  	_ = 	snop  }
0x5: {  	_ = 	snop  }
0x6: {  	_ = 	snop  }
0x7: {  	_ = 	snop  }
__scs_overlays_trampoline_lowered:
0x8: {  	[smem:$0x3FAE] =	sst s0  }
0x9: {  	[smem:$0x3FAF] =	sst s1  }
0xa: {  	[smem:$0x3FB0] =	sst s2  }
0xb: {  	[smem:$0x3FB1] =	sst s3  }
0xc: {  	[smem:$0x3FB2] =	sst s4  }
0xd: {  	[smem:$0x3FB3] =	sst s5  }
0xe: {  	[smem:$0x3FB4] =	sst s6  }
0xf: {  	[smem:$0x3FB5] =	sst s7  }
0x10: {  	[smem:$0x3FB6] =	sst s8  }
0x11: {  	[smem:$0x3FB7] =	sst s9;
	s0 =	simm.s32 @!p0 $0x0  }
0x12: {  	s1 =	sld [smem:$0x3F9D];
	s0 =	simm.s32 @p0 $0x1  }
0x13: {  	[smem:$0x3FB8] =	sst s0;
	s0 =	simm.s32 @!p1 $0x0  }
0x14: {  	s2 =	sld [smem:$0x3F9C];
	s0 =	simm.s32 @p1 $0x1  }
0x15: {  	[smem:$0x3FB9] =	sst s0;
	s0 =	simm.s32 @!p2 $0x0  }
0x16: {  	s3 =	sld [smem:$0x3FDB];
	s0 =	simm.s32 @p2 $0x1  }
0x17: {  	s4 =	simm.s32 $0x1BF5;
	[smem:$0x3FBB] =	sst s0  }
0x18: {  	s0 =	sld [smem:$0x3F9E];
	_ =	swait.ge [sflag:s4], $0x0  }
0x19: {  	s7 =	sld [smem:$0x3F9F]  }
0x1a: {  	s8 =	sadd.s32 $0xFFFFE003, lr  }
0x1b: {  	s9 =	sadd.s32 $0xFFFFFEF7, lr;
	s5 =	simm.s32 $0xFFFFFFFF;
	p2 =	slt.u32 s8, $0xFFFFF086  }
0x1c: {  	p1 =	slt.u32 s9, $0xF7A;
	s5 =	simm.s32 @!p2 $0x0  }
0x1d: {  	s5 =	simm.s32 @p1 $0x1;
	p0 =	seq.s32 s7, s2  }
0x1e: {  	s7 =	smul.u32 @!p0 $0xF7A, s2;
	p2 =	seq.s32 @!p0 s5, $0x0  }
0x1f: {  	s9 =	smul.u32 $0xF7A, s1;
	s8 =	simm.s32 @!p0 $0x1BF5;
	p2 =	por !p2, p0  }
0x20: {  	[sflag:s8] =	ssyncset.s32 @!p0 $0xFFFFF086;
	s6 =	sadd.s32 @!p0 s3, s7;
	s7 =	simm.s32 @!p0 $0x108  }
0x21: {  	s3 =	sadd.s32 s3, s9;
	s6 =	sadd.s32 @!p0 $0x88, s6;
	s7 =	simm.s32 @p2 $0x1082  }
0x22: {  	[simem:s7], [sflag:s8] =	dma.local @!p0 [hbm:s6], $0xF7A  }
0x23: {  	s9 =	sor.u32 $0xD0000000, s2;
	s6 =	simm.s32 $0x108;
	_ =	swait.ge @!p0 [sflag:s8], $0x0  }
0x24: {  	s3 =	sadd.s32 $0x88, s3;
	s6 =	simm.s32 @!p1 $0x1082;
	[sflag:s4] =	ssyncset.s32 $0xFFFFF086  }
0x25: {  	[simem:s6], [sflag:s4] =	dma.local [hbm:s3], $0xF7A  }
0x26: {  	[smem:$0x3F9F] =	sst s1;
	(tag) =	ssettag s2;
	_ =	strace s9  }
0x27: {  	s1 =	sld [smem:$0x3FAF]  }
0x28: {  	s2 =	sld [smem:$0x3FB0]  }
0x29: {  	s4 =	sld [smem:$0x3FB2]  }
0x2a: {  	p0 =	seq.s32 s5, $0x0;
	s5 =	sld [smem:$0x3FB3]  }
0x2b: {  	s6 =	sld [smem:$0x3FB4]  }
0x2c: {  	s7 =	sld [smem:$0x3FB5]  }
0x2d: {  	s3 =	simm.s32 $0x108;
	s8 =	sld [smem:$0x3FB6]  }
0x2e: {  	s3 =	simm.s32 @!p0 $0x1082;
	s9 =	sld [smem:$0x3FB7]  }
0x2f: {  	lr =	sadd.s32 s0, s3;
	s0 =	sld [smem:$0x3FAE]  }
0x30: {  	s3 =	sld [smem:$0x3FB1]  }
0x31: {  	[smem:$0x3FBA] =	sst s10  }
0x32: {  	s10 =	sld [smem:$0x3FB8];
	_ =	sdelay $0x3  }
0x33: {  	p0 =	seq.s32 s10, $0x1;
	s10 =	sld [smem:$0x3FBA];
	_ =	sdelay $0x3  }
0x34: {  	[smem:$0x3FBA] =	sst s10  }
0x35: {  	s10 =	sld [smem:$0x3FB9];
	_ =	sdelay $0x3  }
0x36: {  	p1 =	seq.s32 s10, $0x1;
	s10 =	sld [smem:$0x3FBA];
	_ =	sdelay $0x3  }
0x37: {  	[smem:$0x3FBA] =	sst s10  }
0x38: {  	s10 =	sld [smem:$0x3FBB]  }
0x39: {  	_ = 	snop;
	(pc) =	sbr.ind lr, $3  }
0x3a: {  	_ = 	snop  }
0x3b: {  	_ = 	snop  }
0x3c: {  	p2 =	seq.s32 s10, $0x1;
	s10 =	sld [smem:$0x3FBA]  }
0x3d: {  	_ =	shalt  }
0x3e: {  	_ =	shalt  }
0x3f: {  	_ =	shalt  }
0x40: {  	_ =	shalt  }
0x41: {  	_ =	shalt  }
0x42: {  	_ =	shalt  }
0x43: {  	_ =	shalt  }
0x44: {  	_ =	shalt  }
0x45: {  	_ =	shalt  }
0x46: {  	_ =	shalt  }
0x47: {  	_ =	shalt  }
0x48: {  	_ =	shalt  }
0x49: {  	_ =	shalt  }
0x4a: {  	_ =	shalt  }
0x4b: {  	_ =	shalt  }
0x4c: {  	_ =	shalt  }
0x4d: {  	_ =	shalt  }
0x4e: {  	_ =	shalt  }
0x4f: {  	_ =	shalt  }
0x50: {  	_ =	shalt  }
0x51: {  	_ =	shalt  }
0x52: {  	_ =	shalt  }
0x53: {  	_ =	shalt  }
0x54: {  	_ =	shalt  }
0x55: {  	_ =	shalt  }
0x56: {  	_ =	shalt  }
0x57: {  	_ =	shalt  }
0x58: {  	_ =	shalt  }
0x59: {  	_ =	shalt  }
0x5a: {  	_ =	shalt  }
0x5b: {  	_ =	shalt  }
0x5c: {  	_ =	shalt  }
0x5d: {  	_ =	shalt  }
0x5e: {  	_ =	shalt  }
0x5f: {  	_ =	shalt  }
0x60: {  	_ =	shalt  }
0x61: {  	_ =	shalt  }
0x62: {  	_ =	shalt  }
0x63: {  	_ =	shalt  }
0x64: {  	_ =	shalt  }
0x65: {  	_ =	shalt  }
0x66: {  	_ =	shalt  }
0x67: {  	_ =	shalt  }
0x68: {  	_ =	shalt  }
0x69: {  	_ =	shalt  }
0x6a: {  	_ =	shalt  }
0x6b: {  	_ =	shalt  }
0x6c: {  	_ =	shalt  }
0x6d: {  	_ =	shalt  }
0x6e: {  	_ =	shalt  }
0x6f: {  	_ =	shalt  }
0x70: {  	_ =	shalt  }
0x71: {  	_ =	shalt  }
0x72: {  	_ =	shalt  }
0x73: {  	_ =	shalt  }
0x74: {  	_ =	shalt  }
0x75: {  	_ =	shalt  }
0x76: {  	_ =	shalt  }
0x77: {  	_ =	shalt  }
0x78: {  	_ =	shalt  }
0x79: {  	_ =	shalt  }
0x7a: {  	_ =	shalt  }
0x7b: {  	_ =	shalt  }
0x7c: {  	_ =	shalt  }
0x7d: {  	_ =	shalt  }
0x7e: {  	_ =	shalt  }
0x7f: {  	_ =	shalt  }
0x80: {  	_ =	shalt  }
0x81: {  	_ =	shalt  }
0x82: {  	_ =	shalt  }
0x83: {  	_ =	shalt  }
0x84: {  	_ =	shalt  }
0x85: {  	_ =	shalt  }
0x86: {  	_ =	shalt  }
0x87: {  	_ =	shalt  }
.Lfunc_end0:
.L_simem_size_0:
called_computation_lowered:
.L_overlay_start_0:
0x88: {  	s2 =	sld [smem:$0x3FD9]  }
0x89: {  	s3 =	sld [smem:$0x3FFE];
	_ =	sdelay $0x1  }
0x8a: {  	s1 =	srdreg.scid  }
0x8b: {  	s0 =	sand.u32 $0x1, s1  }
0x8c: {  	s17 =	sshll.u32 s0, $0xA;
	s2 =	sadd.s32 s3, s2  }
0x8d: {  	s2 =	sadd.s32 s2, s17  }
0x8e: {  	[smem:$0x3FC6] =	sst s2  }
0x8f: {  	_ = 	snop  }
0x90: {  	s18 =	sld [smem:$0x3FD0];
	(tm) =	ssettm $0x1  }
0x91: {  	s19 =	sld [smem:$0x3FFB];
	_ =	sdelay $0x3  }
0x92: {  	_ =	strace s19  }
0x93: {  	s2 =	sld [smem:$0x3FFC];
	_ =	sdelay $0x3  }
0x94: {  	_ =	strace s2  }
0x95: {  	s2 =	sld [smem:$0x3FFD];
	_ =	sdelay $0x3  }
0x96: {  	_ =	strace s2  }
0x97: {  	_ =	strace $0x8FFFFFFF  }
0x98: {  	s20 =	sld [smem:$0x3FDB];
	_ =	sdelay $0x1  }
0x99: {  	s4 =	simm.s32 $_scs_section_size  }
0x9a: {  	s5 =	simm.s32 $_size__tile_overlayer_lowered;
	s6 =	simm.s32 $_tile_overlayer_lowered  }
0x9b: {  	s7 =	simm.s32 $0x1BFF;
	s21 =	sshll.u32 s6, $0x1;
	s4 =	sadd.s32 s4, s20  }
0x9c: {  	s22 =	simm.s32 $0x0;
	s5 =	sshll.u32 s5, $0x1;
	s6 =	sadd.s32 s21, s4  }
0x9d: {  	[timem:s22], [sflag:s7] =	dma.local [hbm:s6], s5  }
0x9e: {  	_ =	swait.ge [sflag:s7], s5  }
0x9f: {  	s5 =	ssub.s32 $0x0, s5;
	[sflag:s7] =	ssyncset.done $0x0  }
0xa0: {  	[sflag:s7] =	ssyncadd.s32 s5;
	_ =	sdelay $0x1  }
0xa1: {  	s23 =	simm.s32 $0x1B8B  }
0xa2: {  	_ =	swait.ge [sflag:s23], $0x1  }
0xa3: {  	[sflag:s23] =	ssyncset.done $0x0  }
0xa4: {  	[sflag:s23] =	ssyncadd.s32 $0xFFFFFFFF  }
0xa5: {  	s5 =	sld [smem:$0x0]  }
0xa6: {  	s6 =	sand.u32 $0xFFFFFFFE, s1  }
0xa7: {  	p0 =	sne.s32 s1, s6  }
0xa8: {  	s6 =	sshll.u32 @p0 s6, $0xE  }
0xa9: {  	s6 =	sadd.s32 @p0 $0x11B8D, s6;
	s7 =	sshll.u32 @p0 s5, $0x11  }
0xaa: {  	s6 =	sor.u32 @p0 s7, s6  }
0xab: {  	[sflag:s6] =	ssyncadd.remote.s32 @p0 $0x1;
	_ =	sdelay $0x1  }
0xac: {  	s6 =	simm.s32 @p0 $0x1B8D  }
0xad: {  	_ =	swait.eq @p0 [sflag:s6], $0x1  }
0xae: {  	[sflag:s6] =	ssyncadd.s32 @p0 $0xFFFFFFFF  }
0xaf: {  	s7 =	sshll.u32 @!p0 s1, $0xE  }
0xb0: {  	s7 =	sor.u32 @!p0 $0x4000, s7;
	s6 =	simm.s32 @!p0 $0x1B8D  }
0xb1: {  	s5 =	sshll.u32 @!p0 s5, $0x11;
	s7 =	sadd.s32 @!p0 $0x11B8D, s7;
	_ =	swait.eq @!p0 [sflag:s6], $0x1  }
0xb2: {  	s5 =	sor.u32 @!p0 s5, s7;
	[sflag:s6] =	ssyncadd.s32 @!p0 $0xFFFFFFFF  }
0xb3: {  	s25 =	simm.s32 $0x1B8E;
	s24 =	sld [smem:$0x3FFE];
	[sflag:s5] =	ssyncadd.remote.s32 @!p0 $0x1  }
0xb4: {  	s26 =	simm.s32 $execute0_lowered;
	[smem:$0x3FD2] =	sst s25  }
0xb5: {  	s6 =	sshll.u32 s26, $0x1;
	_ =	strace $0x80000049;
	[dreg:$0x1] =	wrdreg $0xFFFFFFFF  }
0xb6: {  	s28 =	simm.s32 $_size_execute0_lowered;
	s4 =	sadd.s32 s4, s6;
	[dreg:$0x0] =	wrdreg $0x0  }
0xb7: {  	s6 =	sshll.u32 s28, $0x1;
	[dreg:$0x2] =	wrdreg s4  }
0xb8: {  	[dreg:$0x3] =	wrdreg s6  }
0xb9: {  	[dreg:$0x4] =	wrdreg $0xC0  }
0xba: {  	_ =	task [dreg:s22], $0x5FFFF  }
0xbb: {  	[dreg:$0x1] =	wrdreg $0xFFFFFFFF  }
0xbc: {  	[dreg:$0x0] =	wrdreg $0x60  }
0xbd: {  	[dreg:$0x2] =	wrdreg s18  }
0xbe: {  	[dreg:$0x3] =	wrdreg s24  }
0xbf: {  	[dreg:$0x4] =	wrdreg $0x9  }
0xc0: {  	_ =	task.clear_ibuf [dreg:s22], $0x5FFFF;
	_ =	strace $0x90000049  }
0xc1: {  	s29 =	simm.s32 $0x9;
	_ =	strace $0x8000004B  }
0xc2: {  	_ =	swait.ge [sflag:s29], $0x1  }
0xc3: {  	[sflag:s29] =	ssyncadd.s32 $0xFFFFFFFF  }
0xc4: {  	_ =	strace $0x9000004B  }
0xc5: {  	_ =	sfence  }
0xc6: {  	s30 =	sld [smem:$0x0];
	_ =	sdelay $0x2  }
0xc7: {  	s31 =	sshll.u32 s1, $0xD;
	s1 =	sshrl.u32 s1, $0x2  }
0xc8: {  	s4 =	sand.u32 $0x4000, s31;
	s1 =	sadd.s32 s1, s30  }
0xc9: {  	s0 =	sor.u32 s4, s0;
	s1 =	sshll.u32 s1, $0x11  }
0xca: {  	s0 =	sor.u32 s1, s0  }
0xcb: {  	s0 =	sadd.s32 $0x8F2B, s0  }
0xcc: {  	[sflag:s0] =	ssyncadd.remote.s32 $0x1  }
0xcd: {  	_ =	sfence.sel $0xFFFF  }
0xce: {  	[dreg:$0x0] =	wrdreg $0xFFFFFFFF;
	(pc) =	sbr.abs _section_cstart, $3  }
0xcf: {  	[dreg:$0x1] =	wrdreg $0xFFFFFFFF  }
0xd0: {  	_ =	task.clear_ibuf [dreg:s22], $0x2FFFF;
	_ =	strace $0x9FFFFFFF  }
0xd1: {  	(tm) =	ssettm $0x7FFFFFFF  }
tec
execute0_lowered:
.L_overlay_start_1:
0x0: {  	(tag) =	ssettag $0x1  }
0x1: {  	s2 =	rddreg [dreg:$0x0]  }
0x2: {  	s1 =	srdreg.scid;
	s0 =	stileid.u32  }
0x3: {  	s6 =	rddreg [dreg:$0x1];
	s3 =	simm.s32 $0x0;
	s12 =	simm.s32 $0x500  }
0x4: {  	s13 =	simm.s32 $0xA00;
	s14 =	simm.s32 $0x4;
	s15 =	simm.s32 $0x5A00  }
0x5: {  	s16 =	simm.s32 $0x1;
	s4 =	sand.u32 $0x1, s1;
	s5 =	sshll.u32 s0, $0x1  }
0x6: {  	s17 =	simm.s32 $0xAA00;
	s18 =	simm.s32 $0x0;
	s5 =	sor.u32 s4, s5  }
0x7: {  	s1 =	rddreg [dreg:$0x2];
	s9 =	ssub.s32 $0x2, s4;
	s8 =	smul.u32 $0xA00, s5  }
0x8: {  	[smem:$0x7FF] =	sst s3;
	s7 =	smul.u32 $0xD00, s5;
	s10 =	sshrl.u32 s9, $0x1  }
0x9: {  	_ =	strace $0x8000004A;
	s4 =	sadd.s32 $0x2B6800, s6;
	s10 =	ssub.s32 s9, s10  }
0xa: {  	s31 =	sshrl.u32 s8, $0x3;
	s11 =	sadd.s32 s7, s6;
	s7 =	sadd.s32 $0x14000, s8  }
0xb: {  	s8 =	sadd.s32 $0x14500, s8;
	s10 =	smax.u32 s10, $0x1;
	s5 =	sadd.s32 s2, s31  }
0xc: {  	s9 =	sadd.s32 $0x531E00, s11;
	s11 =	simm.s32 $0x5;
	s6 =	sadd.s32 $0xA0, s5  }
.LBB2_1:
0xd: {  	[tilespmem:s3], [sflag:$0x5] =	stream.linear.gather [hbm4b:s5+s3], $0x500, $0x38;
	[tilespmem:$0x11200] =	vst v63  }
0xe: {  	_ =	swait.ge [sflag:s11], $0x500  }
0xf: {  	[sflag:s11] =	ssyncset.done $0x0  }
0x10: {  	[sflag:s11] =	ssyncadd.s32 $0xFFFFFB00  }
0x11: {  	[tilespmem:s13], [sflag:$0x1] =	stream.indirect.gather [hbm4b:s4+s12], $0x10, s3, s12, $0xb8;
	[tilespmem:$0x11200] =	vst v63  }
0x12: {  	s19 =	simm.s32 $0xDE00;
	s20 =	simm.s32 $0xAA00;
	s21 =	simm.s32 $0x0  }
0x13: {  	[tilespmem:s12], [sflag:$0x4] =	stream.linear.gather [hbm4b:s6+s3], $0x500, $0x38;
	[tilespmem:$0x11200] =	vst v63  }
.LBB2_2:
0x14: {  	_ =	swait.ge [sflag:s14], $0x500  }
0x15: {  	p0 =	seq.s32 s21, $0xC;
	[sflag:s14] =	ssyncset.done $0x0  }
0x16: {  	s22 =	smul.u32 @!p0 $0x14000, s21;
	[sflag:s14] =	ssyncadd.s32 $0xFFFFFB00  }
0x17: {  	[tilespmem:s15], [sflag:$0x2] =	stream.indirect.gather [hbm4b:s4+s12], $0x10, s12, s12, $0xb8;
	[tilespmem:$0x11200] =	vst v63  }
0x18: {  	s22 =	sadd.s32 @!p0 s22, s7;
	_ =	swait.ge [sflag:s16], $0x5000  }
0x19: {  	s22 =	sshrl.u32 @!p0 s22, $0x3;
	[sflag:s16] =	ssyncset.done $0x0  }
0x1a: {  	s23 =	simm.s32 @!p0 $0x0;
	s22 =	sadd.s32 @!p0 s2, s22;
	[sflag:s16] =	ssyncadd.s32 $0xFFFFB000  }
0x1b: {  	[tilespmem:s23], [sflag:$0x3] =	stream.linear.gather @!p0 [hbm4b:s22+s23], $0x500, $0x38;
	[tilespmem:$0x11200] =	vst v63  }
0x1c: {  	s22 =	simm.s32 $0xAA0  }
0x1d: {  	v0 =	vld [tilespmem:s22+$0xFFFFFF80]  }
0x1e: {  	v1 =	vld [tilespmem:s22+$0xFFFFFF90]  }
0x1f: {  	v2 =	vld [tilespmem:s22+$0xFFFFFFA0]  }
0x20: {  	v3 =	vld [tilespmem:s22+$0xFFFFFFB0]  }
0x21: {  	v4 =	vld [tilespmem:s22+$0xFFFFFFC0]  }
0x22: {  	v5 =	vld [tilespmem:s22+$0xFFFFFFD0]  }
0x23: {  	v6 =	vld [tilespmem:s22+$0xFFFFFFE0]  }
0x24: {  	v7 =	vld [tilespmem:s22+$0xFFFFFFF0]  }
0x25: {  	v8 =	vld [tilespmem:s22+$0xFFFFFF60]  }
0x26: {  	v9 =	vld [tilespmem:s22+$0x50]  }
0x27: {  	v10 =	vld [tilespmem:s22+$0x40]  }
0x28: {  	v11 =	vld [tilespmem:s22+$0x30]  }
0x29: {  	v12 =	vld [tilespmem:s22+$0x20]  }
0x2a: {  	v13 =	vld [tilespmem:s22+$0x10]  }
0x2b: {  	v14 =	vld [tilespmem:s22+$0x0]  }
0x2c: {  	v15 =	vld [tilespmem:s22+$0xFFFFFF70]  }
0x2d: {  	v16 =	vld [tilespmem:s22+$0x90]  }
0x2e: {  	v58 =	vld [tilespmem:s22+$0x70];
	v0 =	vadd.f32 v1, v0;
	v1 =	vadd.f32 v3, v2  }
0x2f: {  	v60 =	vld [tilespmem:s22+$0x60];
	v3 =	vadd.f32 v7, v6;
	v57 =	vadd.f32 v9, v10  }
0x30: {  	v2 =	vld [tilespmem:s22+$0x80];
	v59 =	vadd.f32 v11, v12;
	v61 =	vadd.f32 v13, v14  }
0x31: {  	v4 =	vadd.f32 v5, v4;
	v62 =	vadd.f32 v15, v8  }
0x32: {  	v6 =	vadd.f32 v57, v59;
	v3 =	vadd.f32 v61, v3  }
0x33: {  	v0 =	vadd.f32 v0, v62;
	v1 =	vadd.f32 v4, v1  }
0x34: {  	v63 =	vadd.f32 v58, v60;
	v3 =	vadd.f32 v6, v3  }
0x35: {  	v0 =	vadd.f32 v1, v0;
	v2 =	vadd.f32 v16, v2;
	_ =	sdelay $0x1  }
0x36: {  	v0 =	vadd.f32 v3, v0;
	v1 =	vadd.f32 v2, v63;
	_ =	sdelay $0x1  }
0x37: {  	v1 =	vadd.f32 v1, v0;
	v0 =	vmov s20;
	_ =	sdelay $0x2  }
0x38: {  	s24 =	simm.s32 $0x0;
	s23 =	simm.s32 $0x340;
	v1 =	vmul.f32 $5.000000070e-02, v1  }
.LBB2_3:
0x39: {  	p0 =	sne.s32 s23, $0xCCC0  }
0x3a: {  	[tilespmem:v0+s24+$0x0 ss:$0x1] =	vst.idx.msk $0xffff, v1;
	s22 =	sadd.s32 $0x140, s22;
	s24 =	smov.u32 s23;
	s23 =	sadd.s32 $0x340, s23  }
0x3b: {  	v1 =	vld [tilespmem:s22+$0xFFFFFF80]  }
0x3c: {  	v2 =	vld [tilespmem:s22+$0xFFFFFF90]  }
0x3d: {  	v3 =	vld [tilespmem:s22+$0xFFFFFFA0]  }
0x3e: {  	v4 =	vld [tilespmem:s22+$0xFFFFFFB0]  }
0x3f: {  	v5 =	vld [tilespmem:s22+$0xFFFFFFC0]  }
0x40: {  	v6 =	vld [tilespmem:s22+$0xFFFFFFD0]  }
0x41: {  	v7 =	vld [tilespmem:s22+$0xFFFFFFE0];
	v1 =	vadd.f32 v2, v1  }
0x42: {  	v2 =	vld [tilespmem:s22+$0xFFFFFFF0]  }
0x43: {  	v8 =	vld [tilespmem:s22+$0xFFFFFF60];
	v3 =	vadd.f32 v4, v3  }
0x44: {  	v4 =	vld [tilespmem:s22+$0x50]  }
0x45: {  	v9 =	vld [tilespmem:s22+$0x40];
	v5 =	vadd.f32 v6, v5  }
0x46: {  	v6 =	vld [tilespmem:s22+$0x30]  }
0x47: {  	v10 =	vld [tilespmem:s22+$0x20];
	v2 =	vadd.f32 v2, v7  }
0x48: {  	v7 =	vld [tilespmem:s22+$0x10]  }
0x49: {  	v11 =	vld [tilespmem:s22+$0x0]  }
0x4a: {  	v12 =	vld [tilespmem:s22+$0xFFFFFF70];
	v4 =	vadd.f32 v4, v9  }
0x4b: {  	v9 =	vld [tilespmem:s22+$0x90]  }
0x4c: {  	v13 =	vld [tilespmem:s22+$0x80];
	v6 =	vadd.f32 v6, v10  }
0x4d: {  	v10 =	vld [tilespmem:s22+$0x70]  }
0x4e: {  	v14 =	vld [tilespmem:s22+$0x60];
	v7 =	vadd.f32 v7, v11;
	v4 =	vadd.f32 v4, v6  }
0x4f: {  	v6 =	vadd.f32 v12, v8  }
0x50: {  	v2 =	vadd.f32 v7, v2  }
0x51: {  	v3 =	vadd.f32 v5, v3;
	v1 =	vadd.f32 v1, v6  }
0x52: {  	v5 =	vadd.f32 v9, v13;
	v2 =	vadd.f32 v4, v2  }
0x53: {  	v4 =	vadd.f32 v10, v14;
	v1 =	vadd.f32 v3, v1;
	_ =	sdelay $0x1  }
0x54: {  	v3 =	vadd.f32 v5, v4;
	v1 =	vadd.f32 v2, v1  }
.Ltmp0:
0x55: {  	(pc) =	sbr.rel @p0 .LBB2_3-.Ltmp0, $3  }
0x56: {  	v1 =	vadd.f32 v3, v1;
	_ =	sdelay $0x1  }
0x57: {  	v1 =	vmul.f32 $5.000000070e-02, v1  }
0x58: {  	s24 =	sshra.s32 s24, $0x2  }
0x59: {  	_ =	sdelay $0x2  }
0x5a: {  	p0 =	sne.s32 s21, $0xC  }
0x5b: {  	[tilespmem:v0+s24+$0x0 ss:$0x1] =	vst.idx.msk $0xffff, v1;
	s22 =	simm.s32 @p0 $0x3  }
0x5c: {  	_ =	swait.ge @p0 [sflag:s22], $0x500  }
0x5d: {  	s23 =	simm.s32 @p0 $0x0;
	[sflag:s22] =	ssyncset.done @p0 $0x0  }
0x5e: {  	s24 =	simm.s32 @p0 $0xA00;
	[sflag:s22] =	ssyncadd.s32 @p0 $0xFFFFFB00;
	s22 =	simm.s32 @p0 $0x500  }
0x5f: {  	[tilespmem:s24], [sflag:$0x1] =	stream.indirect.gather @p0 [hbm4b:s4+s22], $0x10, s23, s22, $0xb8;
	[tilespmem:$0x11200] =	vst v63  }
0x60: {  	s24 =	smul.u32 @p0 $0x14000, s21  }
0x61: {  	s25 =	simm.s32 @p0 $0x2  }
0x62: {  	_ =	swait.ge @p0 [sflag:s25], $0x5000;
	s24 =	sadd.s32 @p0 s24, s8  }
0x63: {  	[sflag:s25] =	ssyncset.done @p0 $0x0;
	s24 =	sshrl.u32 @p0 s24, $0x3  }
0x64: {  	[sflag:s25] =	ssyncadd.s32 @p0 $0xFFFFB000;
	s24 =	sadd.s32 @p0 s2, s24  }
0x65: {  	[tilespmem:s22], [sflag:$0x4] =	stream.linear.gather @p0 [hbm4b:s24+s23], $0x500, $0x38;
	[tilespmem:$0x11200] =	vst v63  }
0x66: {  	s22 =	simm.s32 @!p0 $0x2  }
0x67: {  	_ =	swait.ge @!p0 [sflag:s22], $0x5000  }
0x68: {  	[sflag:s22] =	ssyncset.done @!p0 $0x0  }
0x69: {  	s31 =	simm.s32 $0x0;
	[sflag:s22] =	ssyncadd.s32 @!p0 $0xFFFFB000  }
0x6a: {  	v1 =	vld [tilespmem:s31+$0x5A10]  }
0x6b: {  	v2 =	vld [tilespmem:s31+$0x5A00]  }
0x6c: {  	v3 =	vld [tilespmem:s31+$0x5A20]  }
0x6d: {  	v4 =	vld [tilespmem:s31+$0x5A30]  }
0x6e: {  	v5 =	vld [tilespmem:s31+$0x5A40]  }
0x6f: {  	v6 =	vld [tilespmem:s31+$0x5A50]  }
0x70: {  	v7 =	vld [tilespmem:s31+$0x5A60]  }
0x71: {  	v8 =	vld [tilespmem:s31+$0x5A70]  }
0x72: {  	v9 =	vld [tilespmem:s31+$0x5A80]  }
0x73: {  	v10 =	vld [tilespmem:s31+$0x5A90]  }
0x74: {  	v11 =	vld [tilespmem:s31+$0x5AA0]  }
0x75: {  	v12 =	vld [tilespmem:s31+$0x5AB0]  }
0x76: {  	v13 =	vld [tilespmem:s31+$0x5AC0]  }
0x77: {  	v14 =	vld [tilespmem:s31+$0x5AD0]  }
0x78: {  	v15 =	vld [tilespmem:s31+$0x5AE0]  }
0x79: {  	v16 =	vld [tilespmem:s31+$0x5AF0]  }
0x7a: {  	v0 =	vld [tilespmem:s31+$0x5B00]  }
0x7b: {  	v17 =	vld [tilespmem:s31+$0x5B10];
	v1 =	vadd.f32 v1, v2;
	v2 =	vadd.f32 v4, v3  }
0x7c: {  	v18 =	vld [tilespmem:s31+$0x5B20];
	v4 =	vadd.f32 v6, v5;
	v5 =	vadd.f32 v8, v7  }
0x7d: {  	v3 =	vld [tilespmem:s31+$0x5B30];
	v6 =	vadd.f32 v10, v9;
	v7 =	vadd.f32 v12, v11  }
0x7e: {  	v8 =	vadd.f32 v14, v13;
	v9 =	vadd.f32 v16, v15  }
0x7f: {  	v1 =	vadd.f32 v2, v1;
	v2 =	vadd.f32 v5, v4  }
0x80: {  	v4 =	vadd.f32 v7, v6;
	v5 =	vadd.f32 v9, v8  }
0x81: {  	v0 =	vadd.f32 v17, v0;
	v1 =	vadd.f32 v2, v1  }
0x82: {  	v2 =	vadd.f32 v5, v4;
	v3 =	vadd.f32 v3, v18;
	_ =	sdelay $0x1  }
0x83: {  	v1 =	vadd.f32 v2, v1;
	v0 =	vadd.f32 v3, v0;
	_ =	sdelay $0x1  }
0x84: {  	v0 =	vadd.f32 v0, v1;
	_ =	sdelay $0x1  }
0x85: {  	v0 =	vmul.f32 $5.000000070e-02, v0;
	_ =	sdelay $0x1  }
0x86: {  	s24 =	simm.s32 $0x140;
	[tilespmem:s19+$0x0] =	vst v0  }
0x87: {  	v0 =	vld [tilespmem:s24+$0x5B00]  }
0x88: {  	v1 =	vld [tilespmem:s24+$0x5A10]  }
0x89: {  	v2 =	vld [tilespmem:s24+$0x5A00]  }
0x8a: {  	v3 =	vld [tilespmem:s24+$0x5A20]  }
0x8b: {  	v5 =	vld [tilespmem:s24+$0x5A30]  }
0x8c: {  	v4 =	vld [tilespmem:s24+$0x5A40]  }
0x8d: {  	v6 =	vld [tilespmem:s24+$0x5A50]  }
0x8e: {  	v7 =	vld [tilespmem:s24+$0x5A60]  }
0x8f: {  	v8 =	vld [tilespmem:s24+$0x5A70]  }
0x90: {  	v9 =	vld [tilespmem:s24+$0x5A80]  }
0x91: {  	v10 =	vld [tilespmem:s24+$0x5A90]  }
0x92: {  	v11 =	vld [tilespmem:s24+$0x5AA0]  }
0x93: {  	v12 =	vld [tilespmem:s24+$0x5AB0]  }
0x94: {  	v13 =	vld [tilespmem:s24+$0x5AC0]  }
0x95: {  	v14 =	vld [tilespmem:s24+$0x5AD0]  }
0x96: {  	s23 =	simm.s32 $0xA00;
	s22 =	smov.u32 s19;
	v15 =	vld [tilespmem:s24+$0x5AE0]  }
.LBB2_5:
0x97: {  	p0 =	sne.s32 s23, $0x13B00;
	v16 =	vld [tilespmem:s24+$0x5AF0]  }
0x98: {  	v17 =	vld [tilespmem:s24+$0x5B10]  }
0x99: {  	v1 =	vadd.f32 v1, v2;
	v2 =	vadd.f32 v5, v3;
	v18 =	vld [tilespmem:s24+$0x5B20]  }
0x9a: {  	v4 =	vadd.f32 v6, v4;
	v5 =	vadd.f32 v8, v7;
	v3 =	vld [tilespmem:s24+$0x5B30]  }
0x9b: {  	v6 =	vadd.f32 v10, v9;
	v7 =	vadd.f32 v12, v11  }
0x9c: {  	v8 =	vadd.f32 v14, v13;
	v9 =	vadd.f32 v16, v15  }
0x9d: {  	v1 =	vadd.f32 v2, v1;
	v2 =	vadd.f32 v5, v4  }
0x9e: {  	v4 =	vadd.f32 v7, v6;
	v5 =	vadd.f32 v9, v8  }
0x9f: {  	v0 =	vadd.f32 v17, v0;
	v3 =	vadd.f32 v3, v18  }
0xa0: {  	v1 =	vadd.f32 v2, v1;
	v2 =	vadd.f32 v5, v4;
	_ =	sdelay $0x1  }
0xa1: {  	v0 =	vadd.f32 v3, v0;
	v1 =	vadd.f32 v2, v1;
	_ =	sdelay $0x1  }
0xa2: {  	v0 =	vadd.f32 v0, v1;
	_ =	sdelay $0x1  }
0xa3: {  	v0 =	vmul.f32 $5.000000070e-02, v0  }
0xa4: {  	s22 =	sadd.s32 $0xD0, s22  }
0xa5: {  	s24 =	sshra.s32 s23, $0x2;
	[tilespmem:s22+$0x0] =	vst v0  }
0xa6: {  	v0 =	vld [tilespmem:s24+$0x5B00]  }
0xa7: {  	v1 =	vld [tilespmem:s24+$0x5A10]  }
0xa8: {  	v2 =	vld [tilespmem:s24+$0x5A00]  }
0xa9: {  	v3 =	vld [tilespmem:s24+$0x5A20]  }
0xaa: {  	v5 =	vld [tilespmem:s24+$0x5A30]  }
0xab: {  	v4 =	vld [tilespmem:s24+$0x5A40]  }
0xac: {  	v6 =	vld [tilespmem:s24+$0x5A50]  }
0xad: {  	v7 =	vld [tilespmem:s24+$0x5A60]  }
0xae: {  	v8 =	vld [tilespmem:s24+$0x5A70]  }
0xaf: {  	v9 =	vld [tilespmem:s24+$0x5A80]  }
0xb0: {  	v10 =	vld [tilespmem:s24+$0x5A90]  }
.Ltmp1:
0xb1: {  	v11 =	vld [tilespmem:s24+$0x5AA0];
	(pc) =	sbr.rel @p0 .LBB2_5-.Ltmp1, $4  }
0xb2: {  	v12 =	vld [tilespmem:s24+$0x5AB0]  }
0xb3: {  	v13 =	vld [tilespmem:s24+$0x5AC0]  }
0xb4: {  	v14 =	vld [tilespmem:s24+$0x5AD0]  }
0xb5: {  	s23 =	sadd.s32 $0x500, s23;
	v15 =	vld [tilespmem:s24+$0x5AE0]  }
0xb6: {  	v16 =	vld [tilespmem:s24+$0x5AF0];
	_ =	sdelay $0x1  }
0xb7: {  	v17 =	vld [tilespmem:s24+$0x5B10];
	v1 =	vadd.f32 v1, v2;
	v53 =	vadd.f32 v5, v3  }
0xb8: {  	v18 =	vld [tilespmem:s24+$0x5B20];
	v4 =	vadd.f32 v6, v4;
	v55 =	vadd.f32 v8, v7  }
0xb9: {  	v54 =	vld [tilespmem:s24+$0x5B30];
	v56 =	vadd.f32 v10, v9;
	v57 =	vadd.f32 v12, v11  }
0xba: {  	v58 =	vadd.f32 v14, v13;
	v59 =	vadd.f32 v16, v15  }
0xbb: {  	v1 =	vadd.f32 v53, v1;
	v60 =	vadd.f32 v55, v4  }
0xbc: {  	v61 =	vadd.f32 v57, v56;
	v62 =	vadd.f32 v59, v58  }
0xbd: {  	v1 =	vadd.f32 v60, v1;
	v0 =	vadd.f32 v17, v0  }
0xbe: {  	v3 =	vadd.f32 v54, v18;
	v63 =	vadd.f32 v62, v61;
	_ =	sdelay $0x1  }
0xbf: {  	s21 =	sadd.s32 $0x1, s21;
	v0 =	vadd.f32 v3, v0;
	v1 =	vadd.f32 v63, v1  }
0xc0: {  	p0 =	sne.s32 s21, $0xD  }
.Ltmp2:
0xc1: {  	v0 =	vadd.f32 v0, v1;
	(pc) =	sbr.rel @p0 .LBB2_2-.Ltmp2, $4  }
0xc2: {  	_ = 	snop  }
0xc3: {  	v0 =	vmul.f32 $5.000000070e-02, v0  }
0xc4: {  	s22 =	sadd.s32 $0xD0, s22  }
0xc5: {  	s20 =	sadd.s32 $0x10, s20;
	s19 =	sadd.s32 $0x10, s19;
	[tilespmem:s22+$0x0] =	vst v0  }
0xc6: {  	s18 =	sadd.s32 $0x1, s18  }
0xc7: {  	p0 =	sne.s32 s18, s10  }
.Ltmp3:
0xc8: {  	_ = 	snop;
	(pc) =	sbr.rel @p0 .LBB2_1-.Ltmp3, $4  }
0xc9: {  	[hbm4b:s9+s3] =	stream.linear.scatter [tilespmem:s17], [sflag:$0x5], $0x6800, $0x38;
	[tilespmem:$0x11200] =	vst v63  }
0xca: {  	_ =	swait.ge [sflag:s11], $0x6800  }
0xcb: {  	[sflag:s11] =	ssyncset.done $0x0  }
0xcc: {  	[sflag:s11] =	ssyncadd.s32 $0xFFFF9800  }
0xcd: {  	_ =	sfence.sel $0x180000  }
0xce: {  	[bflag:$0x0] =	sbarrier.arrive $0xFFFF  }
0xcf: {  	p0 =	sne.s32 s0, $0x0;
	_ =	strace $0x9000004A  }
0xd0: {  	s0 =	sadd.s32 @!p0 $0x100000, s1;
	[bflag:$0x2] =	sbarrier.arrive $0xFFFF  }
0xd1: {  	[sflag:s0] =	ssyncadd.tile.s32 @!p0 $0x1;
	_ =	shalt  }
.Lfunc_end2:
_tile_overlayer_lowered:
.L_overlay_start_2:
0xd2: {  	(tag) =	ssettag $0x2  }
0xd3: {  	s0 =	rddreg [dreg:$0x0];
	s2 =	stileid.u32  }
0xd4: {  	s1 =	rddreg [dreg:$0x1];
	p0 =	sne.s32 s2, $0x0  }
0xd5: {  	s3 =	rddreg [dreg:$0x2];
	[bflag:$0x3] =	sbarrier.arrive $0xFFFF;
	s2 =	simm.s32 @!p0 $0x1C05  }
0xd6: {  	[timem:s3], [sflag:s2] =	dma.local @!p0 [hbm:s0], s1  }
0xd7: {  	s0 =	simm.s32 @!p0 $0x5  }
0xd8: {  	_ =	swait.ge @!p0 [sflag:s0], s1  }
0xd9: {  	s1 =	ssub.s32 @!p0 $0x0, s1;
	[sflag:s0] =	ssyncset.done @!p0 $0x0  }
0xda: {  	[sflag:s0] =	ssyncadd.s32 @!p0 s1  }
0xdb: {  	[bflag:$0x3] =	sbarrier.arrive $0xFFFF  }
0xdc: {  	_ =	shalt  }

// kernel: kernel.9.cloned.1.call-start
scs
__scs_entry_jumppad:
0x0: {  	(pc) =	sbr.rel $0x88, $3  }
0x1: {  	(tag) =	ssettag $0x0;
	lr =	simm.s32 $0x1  }
0x2: {  	[smem:$0x3F9F] =	sst lr;
	_ =	strace $0xD0000000  }
0x3: {  	_ = 	snop  }
0x4: {  	_ = 	snop  }
0x5: {  	_ = 	snop  }
0x6: {  	_ = 	snop  }
0x7: {  	_ = 	snop  }
__scs_overlays_trampoline_lowered:
0x8: {  	[smem:$0x3FAE] =	sst s0  }
0x9: {  	[smem:$0x3FAF] =	sst s1  }
0xa: {  	[smem:$0x3FB0] =	sst s2  }
0xb: {  	[smem:$0x3FB1] =	sst s3  }
0xc: {  	[smem:$0x3FB2] =	sst s4  }
0xd: {  	[smem:$0x3FB3] =	sst s5  }
0xe: {  	[smem:$0x3FB4] =	sst s6  }
0xf: {  	[smem:$0x3FB5] =	sst s7  }
0x10: {  	[smem:$0x3FB6] =	sst s8  }
0x11: {  	[smem:$0x3FB7] =	sst s9;
	s0 =	simm.s32 @!p0 $0x0  }
0x12: {  	s1 =	sld [smem:$0x3F9D];
	s0 =	simm.s32 @p0 $0x1  }
0x13: {  	[smem:$0x3FB8] =	sst s0;
	s0 =	simm.s32 @!p1 $0x0  }
0x14: {  	s2 =	sld [smem:$0x3F9C];
	s0 =	simm.s32 @p1 $0x1  }
0x15: {  	[smem:$0x3FB9] =	sst s0;
	s0 =	simm.s32 @!p2 $0x0  }
0x16: {  	s3 =	sld [smem:$0x3FDB];
	s0 =	simm.s32 @p2 $0x1  }
0x17: {  	s4 =	simm.s32 $0x1BF5;
	[smem:$0x3FBB] =	sst s0  }
0x18: {  	s0 =	sld [smem:$0x3F9E];
	_ =	swait.ge [sflag:s4], $0x0  }
0x19: {  	s7 =	sld [smem:$0x3F9F]  }
0x1a: {  	s8 =	sadd.s32 $0xFFFFE003, lr  }
0x1b: {  	s9 =	sadd.s32 $0xFFFFFEF7, lr;
	s5 =	simm.s32 $0xFFFFFFFF;
	p2 =	slt.u32 s8, $0xFFFFF086  }
0x1c: {  	p1 =	slt.u32 s9, $0xF7A;
	s5 =	simm.s32 @!p2 $0x0  }
0x1d: {  	s5 =	simm.s32 @p1 $0x1;
	p0 =	seq.s32 s7, s2  }
0x1e: {  	s7 =	smul.u32 @!p0 $0xF7A, s2;
	p2 =	seq.s32 @!p0 s5, $0x0  }
0x1f: {  	s9 =	smul.u32 $0xF7A, s1;
	s8 =	simm.s32 @!p0 $0x1BF5;
	p2 =	por !p2, p0  }
0x20: {  	[sflag:s8] =	ssyncset.s32 @!p0 $0xFFFFF086;
	s6 =	sadd.s32 @!p0 s3, s7;
	s7 =	simm.s32 @!p0 $0x108  }
0x21: {  	s3 =	sadd.s32 s3, s9;
	s6 =	sadd.s32 @!p0 $0x88, s6;
	s7 =	simm.s32 @p2 $0x1082  }
0x22: {  	[simem:s7], [sflag:s8] =	dma.local @!p0 [hbm:s6], $0xF7A  }
0x23: {  	s9 =	sor.u32 $0xD0000000, s2;
	s6 =	simm.s32 $0x108;
	_ =	swait.ge @!p0 [sflag:s8], $0x0  }
0x24: {  	s3 =	sadd.s32 $0x88, s3;
	s6 =	simm.s32 @!p1 $0x1082;
	[sflag:s4] =	ssyncset.s32 $0xFFFFF086  }
0x25: {  	[simem:s6], [sflag:s4] =	dma.local [hbm:s3], $0xF7A  }
0x26: {  	[smem:$0x3F9F] =	sst s1;
	(tag) =	ssettag s2;
	_ =	strace s9  }
0x27: {  	s1 =	sld [smem:$0x3FAF]  }
0x28: {  	s2 =	sld [smem:$0x3FB0]  }
0x29: {  	s4 =	sld [smem:$0x3FB2]  }
0x2a: {  	p0 =	seq.s32 s5, $0x0;
	s5 =	sld [smem:$0x3FB3]  }
0x2b: {  	s6 =	sld [smem:$0x3FB4]  }
0x2c: {  	s7 =	sld [smem:$0x3FB5]  }
0x2d: {  	s3 =	simm.s32 $0x108;
	s8 =	sld [smem:$0x3FB6]  }
0x2e: {  	s3 =	simm.s32 @!p0 $0x1082;
	s9 =	sld [smem:$0x3FB7]  }
0x2f: {  	lr =	sadd.s32 s0, s3;
	s0 =	sld [smem:$0x3FAE]  }
0x30: {  	s3 =	sld [smem:$0x3FB1]  }
0x31: {  	[smem:$0x3FBA] =	sst s10  }
0x32: {  	s10 =	sld [smem:$0x3FB8];
	_ =	sdelay $0x3  }
0x33: {  	p0 =	seq.s32 s10, $0x1;
	s10 =	sld [smem:$0x3FBA];
	_ =	sdelay $0x3  }
0x34: {  	[smem:$0x3FBA] =	sst s10  }
0x35: {  	s10 =	sld [smem:$0x3FB9];
	_ =	sdelay $0x3  }
0x36: {  	p1 =	seq.s32 s10, $0x1;
	s10 =	sld [smem:$0x3FBA];
	_ =	sdelay $0x3  }
0x37: {  	[smem:$0x3FBA] =	sst s10  }
0x38: {  	s10 =	sld [smem:$0x3FBB]  }
0x39: {  	_ = 	snop;
	(pc) =	sbr.ind lr, $3  }
0x3a: {  	_ = 	snop  }
0x3b: {  	_ = 	snop  }
0x3c: {  	p2 =	seq.s32 s10, $0x1;
	s10 =	sld [smem:$0x3FBA]  }
0x3d: {  	_ =	shalt  }
0x3e: {  	_ =	shalt  }
0x3f: {  	_ =	shalt  }
0x40: {  	_ =	shalt  }
0x41: {  	_ =	shalt  }
0x42: {  	_ =	shalt  }
0x43: {  	_ =	shalt  }
0x44: {  	_ =	shalt  }
0x45: {  	_ =	shalt  }
0x46: {  	_ =	shalt  }
0x47: {  	_ =	shalt  }
0x48: {  	_ =	shalt  }
0x49: {  	_ =	shalt  }
0x4a: {  	_ =	shalt  }
0x4b: {  	_ =	shalt  }
0x4c: {  	_ =	shalt  }
0x4d: {  	_ =	shalt  }
0x4e: {  	_ =	shalt  }
0x4f: {  	_ =	shalt  }
0x50: {  	_ =	shalt  }
0x51: {  	_ =	shalt  }
0x52: {  	_ =	shalt  }
0x53: {  	_ =	shalt  }
0x54: {  	_ =	shalt  }
0x55: {  	_ =	shalt  }
0x56: {  	_ =	shalt  }
0x57: {  	_ =	shalt  }
0x58: {  	_ =	shalt  }
0x59: {  	_ =	shalt  }
0x5a: {  	_ =	shalt  }
0x5b: {  	_ =	shalt  }
0x5c: {  	_ =	shalt  }
0x5d: {  	_ =	shalt  }
0x5e: {  	_ =	shalt  }
0x5f: {  	_ =	shalt  }
0x60: {  	_ =	shalt  }
0x61: {  	_ =	shalt  }
0x62: {  	_ =	shalt  }
0x63: {  	_ =	shalt  }
0x64: {  	_ =	shalt  }
0x65: {  	_ =	shalt  }
0x66: {  	_ =	shalt  }
0x67: {  	_ =	shalt  }
0x68: {  	_ =	shalt  }
0x69: {  	_ =	shalt  }
0x6a: {  	_ =	shalt  }
0x6b: {  	_ =	shalt  }
0x6c: {  	_ =	shalt  }
0x6d: {  	_ =	shalt  }
0x6e: {  	_ =	shalt  }
0x6f: {  	_ =	shalt  }
0x70: {  	_ =	shalt  }
0x71: {  	_ =	shalt  }
0x72: {  	_ =	shalt  }
0x73: {  	_ =	shalt  }
0x74: {  	_ =	shalt  }
0x75: {  	_ =	shalt  }
0x76: {  	_ =	shalt  }
0x77: {  	_ =	shalt  }
0x78: {  	_ =	shalt  }
0x79: {  	_ =	shalt  }
0x7a: {  	_ =	shalt  }
0x7b: {  	_ =	shalt  }
0x7c: {  	_ =	shalt  }
0x7d: {  	_ =	shalt  }
0x7e: {  	_ =	shalt  }
0x7f: {  	_ =	shalt  }
0x80: {  	_ =	shalt  }
0x81: {  	_ =	shalt  }
0x82: {  	_ =	shalt  }
0x83: {  	_ =	shalt  }
0x84: {  	_ =	shalt  }
0x85: {  	_ =	shalt  }
0x86: {  	_ =	shalt  }
0x87: {  	_ =	shalt  }
.Lfunc_end0:
.L_simem_size_0:
called_computation.1_lowered:
.L_overlay_start_0:
0x88: {  	s2 =	sld [smem:$0x3FD9]  }
0x89: {  	s3 =	sld [smem:$0x3FFE];
	_ =	sdelay $0x1  }
0x8a: {  	s1 =	srdreg.scid  }
0x8b: {  	s0 =	sand.u32 $0x1, s1  }
0x8c: {  	s16 =	sshll.u32 s0, $0xA;
	s2 =	sadd.s32 s3, s2  }
0x8d: {  	s2 =	sadd.s32 s2, s16  }
0x8e: {  	[smem:$0x3FC6] =	sst s2  }
0x8f: {  	_ = 	snop  }
0x90: {  	(tm) =	ssettm $0x1  }
0x91: {  	s17 =	sld [smem:$0x3FFB];
	_ =	sdelay $0x3  }
0x92: {  	_ =	strace s17  }
0x93: {  	s2 =	sld [smem:$0x3FFC];
	_ =	sdelay $0x3  }
0x94: {  	_ =	strace s2  }
0x95: {  	s2 =	sld [smem:$0x3FFD];
	_ =	sdelay $0x3  }
0x96: {  	_ =	strace s2  }
0x97: {  	_ =	strace $0x8FFFFFFF  }
0x98: {  	s18 =	sld [smem:$0x3FDB];
	_ =	sdelay $0x1  }
0x99: {  	s19 =	simm.s32 $_scs_section_size  }
0x9a: {  	s4 =	simm.s32 $_size__tile_overlayer_lowered;
	s5 =	simm.s32 $_tile_overlayer_lowered  }
0x9b: {  	s22 =	simm.s32 $0x1BFF;
	s21 =	sshll.u32 s5, $0x1;
	s2 =	sadd.s32 s19, s18  }
0x9c: {  	s6 =	simm.s32 $0x0;
	s20 =	sshll.u32 s4, $0x1;
	s4 =	sadd.s32 s21, s2  }
0x9d: {  	[timem:s6], [sflag:s22] =	dma.local [hbm:s4], s20  }
0x9e: {  	_ =	swait.ge [sflag:s22], s20  }
0x9f: {  	s3 =	ssub.s32 $0x0, s20;
	[sflag:s22] =	ssyncset.done $0x0  }
0xa0: {  	[sflag:s22] =	ssyncadd.s32 s3;
	_ =	sdelay $0x1  }
0xa1: {  	s23 =	simm.s32 $0x1B8B  }
0xa2: {  	_ =	swait.ge [sflag:s23], $0x1  }
0xa3: {  	[sflag:s23] =	ssyncset.done $0x0  }
0xa4: {  	s25 =	simm.s32 $0x1B8E;
	s24 =	sld [smem:$0x3FFE];
	[sflag:s23] =	ssyncadd.s32 $0xFFFFFFFF  }
0xa5: {  	s26 =	simm.s32 $execute0_lowered;
	[smem:$0x3FD2] =	sst s25  }
0xa6: {  	s4 =	sshll.u32 s26, $0x1;
	_ =	strace $0x80000046;
	[dreg:$0x1] =	wrdreg $0xFFFFFFFF  }
0xa7: {  	s28 =	simm.s32 $_size_execute0_lowered;
	s2 =	sadd.s32 s2, s4;
	[dreg:$0x0] =	wrdreg $0x0  }
0xa8: {  	s4 =	sshll.u32 s28, $0x1;
	[dreg:$0x2] =	wrdreg s2  }
0xa9: {  	[dreg:$0x3] =	wrdreg s4  }
0xaa: {  	[dreg:$0x4] =	wrdreg $0xC0  }
0xab: {  	_ =	task [dreg:s6], $0x5FFFF  }
0xac: {  	[dreg:$0x1] =	wrdreg $0xFFFFFFFF  }
0xad: {  	[dreg:$0x0] =	wrdreg $0x60  }
0xae: {  	[dreg:$0x2] =	wrdreg s24  }
0xaf: {  	[dreg:$0x3] =	wrdreg $0xA  }
0xb0: {  	_ =	task.clear_ibuf [dreg:s6], $0x4FFFF;
	_ =	strace $0x90000046  }
0xb1: {  	s29 =	simm.s32 $0xA;
	_ =	strace $0x80000048  }
0xb2: {  	_ =	swait.ge [sflag:s29], $0x1  }
0xb3: {  	[sflag:s29] =	ssyncadd.s32 $0xFFFFFFFF  }
0xb4: {  	_ =	strace $0x90000048  }
0xb5: {  	_ =	sfence  }
0xb6: {  	s30 =	sld [smem:$0x0];
	_ =	sdelay $0x2  }
0xb7: {  	s31 =	sshll.u32 s1, $0xD;
	s1 =	sshrl.u32 s1, $0x2  }
0xb8: {  	s3 =	sand.u32 $0x4000, s31;
	s1 =	sadd.s32 s1, s30  }
0xb9: {  	s0 =	sor.u32 s3, s0;
	s1 =	sshll.u32 s1, $0x11  }
0xba: {  	s0 =	sor.u32 s1, s0  }
0xbb: {  	s0 =	sadd.s32 $0x8F2B, s0  }
0xbc: {  	[sflag:s0] =	ssyncadd.remote.s32 $0x1  }
0xbd: {  	_ =	sfence.sel $0xFFFF  }
0xbe: {  	[dreg:$0x0] =	wrdreg $0xFFFFFFFF;
	(pc) =	sbr.abs _section_cstart, $3  }
0xbf: {  	[dreg:$0x1] =	wrdreg $0xFFFFFFFF  }
0xc0: {  	_ =	task.clear_ibuf [dreg:s6], $0x2FFFF;
	_ =	strace $0x9FFFFFFF  }
0xc1: {  	(tm) =	ssettm $0x7FFFFFFF  }
tec
execute0_lowered:
.L_overlay_start_1:
0x0: {  	(tag) =	ssettag $0x1  }
0x1: {  	s1 =	srdreg.scid  }
0x2: {  	s0 =	stileid.u32;
	s6 =	rddreg [dreg:$0x0]  }
0x3: {  	s2 =	simm.s32 $0x0;
	s12 =	simm.s32 $0x500;
	s13 =	simm.s32 $0xA00  }
0x4: {  	s14 =	simm.s32 $0x4;
	s15 =	simm.s32 $0x5A00;
	s16 =	simm.s32 $0x1  }
0x5: {  	s17 =	simm.s32 $0xAA00;
	s4 =	sand.u32 $0x1, s1;
	s3 =	sshll.u32 s0, $0x1  }
0x6: {  	s18 =	simm.s32 $0x0;
	s1 =	rddreg [dreg:$0x1];
	s5 =	sor.u32 s4, s3  }
0x7: {  	[smem:$0x7FF] =	sst s2;
	s9 =	ssub.s32 $0x2, s4;
	s8 =	smul.u32 $0xA00, s5  }
0x8: {  	_ =	strace $0x80000047;
	s7 =	smul.u32 $0xD00, s5;
	s10 =	sshrl.u32 s9, $0x1  }
0x9: {  	s3 =	sadd.s32 $0xA00, s6;
	s4 =	sadd.s32 $0x21200, s6;
	s10 =	ssub.s32 s9, s10  }
0xa: {  	s31 =	sshrl.u32 s8, $0x3;
	s11 =	sadd.s32 s7, s6;
	s7 =	sadd.s32 $0x14000, s8  }
0xb: {  	s8 =	sadd.s32 $0x14500, s8;
	s10 =	smax.u32 s10, $0x1;
	s5 =	sadd.s32 s3, s31  }
0xc: {  	s9 =	sadd.s32 $0x29C800, s11;
	s11 =	simm.s32 $0x5;
	s6 =	sadd.s32 $0xA0, s5  }
.LBB2_1:
0xd: {  	[tilespmem:s2], [sflag:$0x5] =	stream.linear.gather [hbm4b:s5+s2], $0x500, $0x38;
	[tilespmem:$0x11200] =	vst v63  }
0xe: {  	_ =	swait.ge [sflag:s11], $0x500  }
0xf: {  	[sflag:s11] =	ssyncset.done $0x0  }
0x10: {  	[sflag:s11] =	ssyncadd.s32 $0xFFFFFB00  }
0x11: {  	[tilespmem:s13], [sflag:$0x1] =	stream.indirect.gather [hbm4b:s4+s12], $0x10, s2, s12, $0xb8;
	[tilespmem:$0x11200] =	vst v63  }
0x12: {  	s19 =	simm.s32 $0xDE00;
	s20 =	simm.s32 $0xAA00;
	s21 =	simm.s32 $0x0  }
0x13: {  	[tilespmem:s12], [sflag:$0x4] =	stream.linear.gather [hbm4b:s6+s2], $0x500, $0x38;
	[tilespmem:$0x11200] =	vst v63  }
.LBB2_2:
0x14: {  	_ =	swait.ge [sflag:s14], $0x500  }
0x15: {  	p0 =	seq.s32 s21, $0xC;
	[sflag:s14] =	ssyncset.done $0x0  }
0x16: {  	s22 =	smul.u32 @!p0 $0x14000, s21;
	[sflag:s14] =	ssyncadd.s32 $0xFFFFFB00  }
0x17: {  	[tilespmem:s15], [sflag:$0x2] =	stream.indirect.gather [hbm4b:s4+s12], $0x10, s12, s12, $0xb8;
	[tilespmem:$0x11200] =	vst v63  }
0x18: {  	s22 =	sadd.s32 @!p0 s22, s7;
	_ =	swait.ge [sflag:s16], $0x5000  }
0x19: {  	s22 =	sshrl.u32 @!p0 s22, $0x3;
	[sflag:s16] =	ssyncset.done $0x0  }
0x1a: {  	s23 =	simm.s32 @!p0 $0x0;
	s22 =	sadd.s32 @!p0 s3, s22;
	[sflag:s16] =	ssyncadd.s32 $0xFFFFB000  }
0x1b: {  	[tilespmem:s23], [sflag:$0x3] =	stream.linear.gather @!p0 [hbm4b:s22+s23], $0x500, $0x38;
	[tilespmem:$0x11200] =	vst v63  }
0x1c: {  	s22 =	simm.s32 $0xAA0  }
0x1d: {  	v0 =	vld [tilespmem:s22+$0xFFFFFF80]  }
0x1e: {  	v1 =	vld [tilespmem:s22+$0xFFFFFF90]  }
0x1f: {  	v2 =	vld [tilespmem:s22+$0xFFFFFFA0]  }
0x20: {  	v3 =	vld [tilespmem:s22+$0xFFFFFFB0]  }
0x21: {  	v4 =	vld [tilespmem:s22+$0xFFFFFFC0]  }
0x22: {  	v5 =	vld [tilespmem:s22+$0xFFFFFFD0]  }
0x23: {  	v6 =	vld [tilespmem:s22+$0xFFFFFFE0]  }
0x24: {  	v7 =	vld [tilespmem:s22+$0xFFFFFFF0]  }
0x25: {  	v8 =	vld [tilespmem:s22+$0xFFFFFF60]  }
0x26: {  	v9 =	vld [tilespmem:s22+$0x50]  }
0x27: {  	v10 =	vld [tilespmem:s22+$0x40]  }
0x28: {  	v11 =	vld [tilespmem:s22+$0x30]  }
0x29: {  	v12 =	vld [tilespmem:s22+$0x20]  }
0x2a: {  	v13 =	vld [tilespmem:s22+$0x10]  }
0x2b: {  	v14 =	vld [tilespmem:s22+$0x0]  }
0x2c: {  	v15 =	vld [tilespmem:s22+$0xFFFFFF70]  }
0x2d: {  	v16 =	vld [tilespmem:s22+$0x90]  }
0x2e: {  	v58 =	vld [tilespmem:s22+$0x70];
	v0 =	vadd.f32 v1, v0;
	v1 =	vadd.f32 v3, v2  }
0x2f: {  	v60 =	vld [tilespmem:s22+$0x60];
	v3 =	vadd.f32 v7, v6;
	v57 =	vadd.f32 v9, v10  }
0x30: {  	v2 =	vld [tilespmem:s22+$0x80];
	v59 =	vadd.f32 v11, v12;
	v61 =	vadd.f32 v13, v14  }
0x31: {  	v4 =	vadd.f32 v5, v4;
	v62 =	vadd.f32 v15, v8  }
0x32: {  	v6 =	vadd.f32 v57, v59;
	v3 =	vadd.f32 v61, v3  }
0x33: {  	v0 =	vadd.f32 v0, v62;
	v1 =	vadd.f32 v4, v1  }
0x34: {  	v63 =	vadd.f32 v58, v60;
	v3 =	vadd.f32 v6, v3  }
0x35: {  	v0 =	vadd.f32 v1, v0;
	v2 =	vadd.f32 v16, v2;
	_ =	sdelay $0x1  }
0x36: {  	v0 =	vadd.f32 v3, v0;
	v1 =	vadd.f32 v2, v63;
	_ =	sdelay $0x1  }
0x37: {  	v1 =	vadd.f32 v1, v0;
	v0 =	vmov s20;
	_ =	sdelay $0x2  }
0x38: {  	s24 =	simm.s32 $0x0;
	s23 =	simm.s32 $0x340;
	v1 =	vmul.f32 $5.000000070e-02, v1  }
.LBB2_3:
0x39: {  	p0 =	sne.s32 s23, $0xCCC0  }
0x3a: {  	[tilespmem:v0+s24+$0x0 ss:$0x1] =	vst.idx.msk $0xffff, v1;
	s22 =	sadd.s32 $0x140, s22;
	s24 =	smov.u32 s23;
	s23 =	sadd.s32 $0x340, s23  }
0x3b: {  	v1 =	vld [tilespmem:s22+$0xFFFFFF80]  }
0x3c: {  	v2 =	vld [tilespmem:s22+$0xFFFFFF90]  }
0x3d: {  	v3 =	vld [tilespmem:s22+$0xFFFFFFA0]  }
0x3e: {  	v4 =	vld [tilespmem:s22+$0xFFFFFFB0]  }
0x3f: {  	v5 =	vld [tilespmem:s22+$0xFFFFFFC0]  }
0x40: {  	v6 =	vld [tilespmem:s22+$0xFFFFFFD0]  }
0x41: {  	v7 =	vld [tilespmem:s22+$0xFFFFFFE0];
	v1 =	vadd.f32 v2, v1  }
0x42: {  	v2 =	vld [tilespmem:s22+$0xFFFFFFF0]  }
0x43: {  	v8 =	vld [tilespmem:s22+$0xFFFFFF60];
	v3 =	vadd.f32 v4, v3  }
0x44: {  	v4 =	vld [tilespmem:s22+$0x50]  }
0x45: {  	v9 =	vld [tilespmem:s22+$0x40];
	v5 =	vadd.f32 v6, v5  }
0x46: {  	v6 =	vld [tilespmem:s22+$0x30]  }
0x47: {  	v10 =	vld [tilespmem:s22+$0x20];
	v2 =	vadd.f32 v2, v7  }
0x48: {  	v7 =	vld [tilespmem:s22+$0x10]  }
0x49: {  	v11 =	vld [tilespmem:s22+$0x0]  }
0x4a: {  	v12 =	vld [tilespmem:s22+$0xFFFFFF70];
	v4 =	vadd.f32 v4, v9  }
0x4b: {  	v9 =	vld [tilespmem:s22+$0x90]  }
0x4c: {  	v13 =	vld [tilespmem:s22+$0x80];
	v6 =	vadd.f32 v6, v10  }
0x4d: {  	v10 =	vld [tilespmem:s22+$0x70]  }
0x4e: {  	v14 =	vld [tilespmem:s22+$0x60];
	v7 =	vadd.f32 v7, v11;
	v4 =	vadd.f32 v4, v6  }
0x4f: {  	v6 =	vadd.f32 v12, v8  }
0x50: {  	v2 =	vadd.f32 v7, v2  }
0x51: {  	v3 =	vadd.f32 v5, v3;
	v1 =	vadd.f32 v1, v6  }
0x52: {  	v5 =	vadd.f32 v9, v13;
	v2 =	vadd.f32 v4, v2  }
0x53: {  	v4 =	vadd.f32 v10, v14;
	v1 =	vadd.f32 v3, v1;
	_ =	sdelay $0x1  }
0x54: {  	v3 =	vadd.f32 v5, v4;
	v1 =	vadd.f32 v2, v1  }
.Ltmp0:
0x55: {  	(pc) =	sbr.rel @p0 .LBB2_3-.Ltmp0, $3  }
0x56: {  	v1 =	vadd.f32 v3, v1;
	_ =	sdelay $0x1  }
0x57: {  	v1 =	vmul.f32 $5.000000070e-02, v1  }
0x58: {  	s24 =	sshra.s32 s24, $0x2  }
0x59: {  	_ =	sdelay $0x2  }
0x5a: {  	p0 =	sne.s32 s21, $0xC  }
0x5b: {  	[tilespmem:v0+s24+$0x0 ss:$0x1] =	vst.idx.msk $0xffff, v1;
	s22 =	simm.s32 @p0 $0x3  }
0x5c: {  	_ =	swait.ge @p0 [sflag:s22], $0x500  }
0x5d: {  	s23 =	simm.s32 @p0 $0x0;
	[sflag:s22] =	ssyncset.done @p0 $0x0  }
0x5e: {  	s24 =	simm.s32 @p0 $0xA00;
	[sflag:s22] =	ssyncadd.s32 @p0 $0xFFFFFB00;
	s22 =	simm.s32 @p0 $0x500  }
0x5f: {  	[tilespmem:s24], [sflag:$0x1] =	stream.indirect.gather @p0 [hbm4b:s4+s22], $0x10, s23, s22, $0xb8;
	[tilespmem:$0x11200] =	vst v63  }
0x60: {  	s24 =	smul.u32 @p0 $0x14000, s21  }
0x61: {  	s25 =	simm.s32 @p0 $0x2  }
0x62: {  	_ =	swait.ge @p0 [sflag:s25], $0x5000;
	s24 =	sadd.s32 @p0 s24, s8  }
0x63: {  	[sflag:s25] =	ssyncset.done @p0 $0x0;
	s24 =	sshrl.u32 @p0 s24, $0x3  }
0x64: {  	[sflag:s25] =	ssyncadd.s32 @p0 $0xFFFFB000;
	s24 =	sadd.s32 @p0 s3, s24  }
0x65: {  	[tilespmem:s22], [sflag:$0x4] =	stream.linear.gather @p0 [hbm4b:s24+s23], $0x500, $0x38;
	[tilespmem:$0x11200] =	vst v63  }
0x66: {  	s22 =	simm.s32 @!p0 $0x2  }
0x67: {  	_ =	swait.ge @!p0 [sflag:s22], $0x5000  }
0x68: {  	[sflag:s22] =	ssyncset.done @!p0 $0x0  }
0x69: {  	s31 =	simm.s32 $0x0;
	[sflag:s22] =	ssyncadd.s32 @!p0 $0xFFFFB000  }
0x6a: {  	v1 =	vld [tilespmem:s31+$0x5A10]  }
0x6b: {  	v2 =	vld [tilespmem:s31+$0x5A00]  }
0x6c: {  	v3 =	vld [tilespmem:s31+$0x5A20]  }
0x6d: {  	v4 =	vld [tilespmem:s31+$0x5A30]  }
0x6e: {  	v5 =	vld [tilespmem:s31+$0x5A40]  }
0x6f: {  	v6 =	vld [tilespmem:s31+$0x5A50]  }
0x70: {  	v7 =	vld [tilespmem:s31+$0x5A60]  }
0x71: {  	v8 =	vld [tilespmem:s31+$0x5A70]  }
0x72: {  	v9 =	vld [tilespmem:s31+$0x5A80]  }
0x73: {  	v10 =	vld [tilespmem:s31+$0x5A90]  }
0x74: {  	v11 =	vld [tilespmem:s31+$0x5AA0]  }
0x75: {  	v12 =	vld [tilespmem:s31+$0x5AB0]  }
0x76: {  	v13 =	vld [tilespmem:s31+$0x5AC0]  }
0x77: {  	v14 =	vld [tilespmem:s31+$0x5AD0]  }
0x78: {  	v15 =	vld [tilespmem:s31+$0x5AE0]  }
0x79: {  	v16 =	vld [tilespmem:s31+$0x5AF0]  }
0x7a: {  	v0 =	vld [tilespmem:s31+$0x5B00]  }
0x7b: {  	v17 =	vld [tilespmem:s31+$0x5B10];
	v1 =	vadd.f32 v1, v2;
	v2 =	vadd.f32 v4, v3  }
0x7c: {  	v18 =	vld [tilespmem:s31+$0x5B20];
	v4 =	vadd.f32 v6, v5;
	v5 =	vadd.f32 v8, v7  }
0x7d: {  	v3 =	vld [tilespmem:s31+$0x5B30];
	v6 =	vadd.f32 v10, v9;
	v7 =	vadd.f32 v12, v11  }
0x7e: {  	v8 =	vadd.f32 v14, v13;
	v9 =	vadd.f32 v16, v15  }
0x7f: {  	v1 =	vadd.f32 v2, v1;
	v2 =	vadd.f32 v5, v4  }
0x80: {  	v4 =	vadd.f32 v7, v6;
	v5 =	vadd.f32 v9, v8  }
0x81: {  	v0 =	vadd.f32 v17, v0;
	v1 =	vadd.f32 v2, v1  }
0x82: {  	v2 =	vadd.f32 v5, v4;
	v3 =	vadd.f32 v3, v18;
	_ =	sdelay $0x1  }
0x83: {  	v1 =	vadd.f32 v2, v1;
	v0 =	vadd.f32 v3, v0;
	_ =	sdelay $0x1  }
0x84: {  	v0 =	vadd.f32 v0, v1;
	_ =	sdelay $0x1  }
0x85: {  	v0 =	vmul.f32 $5.000000070e-02, v0;
	_ =	sdelay $0x1  }
0x86: {  	s24 =	simm.s32 $0x140;
	[tilespmem:s19+$0x0] =	vst v0  }
0x87: {  	v0 =	vld [tilespmem:s24+$0x5B00]  }
0x88: {  	v1 =	vld [tilespmem:s24+$0x5A10]  }
0x89: {  	v2 =	vld [tilespmem:s24+$0x5A00]  }
0x8a: {  	v3 =	vld [tilespmem:s24+$0x5A20]  }
0x8b: {  	v5 =	vld [tilespmem:s24+$0x5A30]  }
0x8c: {  	v4 =	vld [tilespmem:s24+$0x5A40]  }
0x8d: {  	v6 =	vld [tilespmem:s24+$0x5A50]  }
0x8e: {  	v7 =	vld [tilespmem:s24+$0x5A60]  }
0x8f: {  	v8 =	vld [tilespmem:s24+$0x5A70]  }
0x90: {  	v9 =	vld [tilespmem:s24+$0x5A80]  }
0x91: {  	v10 =	vld [tilespmem:s24+$0x5A90]  }
0x92: {  	v11 =	vld [tilespmem:s24+$0x5AA0]  }
0x93: {  	v12 =	vld [tilespmem:s24+$0x5AB0]  }
0x94: {  	v13 =	vld [tilespmem:s24+$0x5AC0]  }
0x95: {  	v14 =	vld [tilespmem:s24+$0x5AD0]  }
0x96: {  	s23 =	simm.s32 $0xA00;
	s22 =	smov.u32 s19;
	v15 =	vld [tilespmem:s24+$0x5AE0]  }
.LBB2_5:
0x97: {  	p0 =	sne.s32 s23, $0x13B00;
	v16 =	vld [tilespmem:s24+$0x5AF0]  }
0x98: {  	v17 =	vld [tilespmem:s24+$0x5B10]  }
0x99: {  	v1 =	vadd.f32 v1, v2;
	v2 =	vadd.f32 v5, v3;
	v18 =	vld [tilespmem:s24+$0x5B20]  }
0x9a: {  	v4 =	vadd.f32 v6, v4;
	v5 =	vadd.f32 v8, v7;
	v3 =	vld [tilespmem:s24+$0x5B30]  }
0x9b: {  	v6 =	vadd.f32 v10, v9;
	v7 =	vadd.f32 v12, v11  }
0x9c: {  	v8 =	vadd.f32 v14, v13;
	v9 =	vadd.f32 v16, v15  }
0x9d: {  	v1 =	vadd.f32 v2, v1;
	v2 =	vadd.f32 v5, v4  }
0x9e: {  	v4 =	vadd.f32 v7, v6;
	v5 =	vadd.f32 v9, v8  }
0x9f: {  	v0 =	vadd.f32 v17, v0;
	v3 =	vadd.f32 v3, v18  }
0xa0: {  	v1 =	vadd.f32 v2, v1;
	v2 =	vadd.f32 v5, v4;
	_ =	sdelay $0x1  }
0xa1: {  	v0 =	vadd.f32 v3, v0;
	v1 =	vadd.f32 v2, v1;
	_ =	sdelay $0x1  }
0xa2: {  	v0 =	vadd.f32 v0, v1;
	_ =	sdelay $0x1  }
0xa3: {  	v0 =	vmul.f32 $5.000000070e-02, v0  }
0xa4: {  	s22 =	sadd.s32 $0xD0, s22  }
0xa5: {  	s24 =	sshra.s32 s23, $0x2;
	[tilespmem:s22+$0x0] =	vst v0  }
0xa6: {  	v0 =	vld [tilespmem:s24+$0x5B00]  }
0xa7: {  	v1 =	vld [tilespmem:s24+$0x5A10]  }
0xa8: {  	v2 =	vld [tilespmem:s24+$0x5A00]  }
0xa9: {  	v3 =	vld [tilespmem:s24+$0x5A20]  }
0xaa: {  	v5 =	vld [tilespmem:s24+$0x5A30]  }
0xab: {  	v4 =	vld [tilespmem:s24+$0x5A40]  }
0xac: {  	v6 =	vld [tilespmem:s24+$0x5A50]  }
0xad: {  	v7 =	vld [tilespmem:s24+$0x5A60]  }
0xae: {  	v8 =	vld [tilespmem:s24+$0x5A70]  }
0xaf: {  	v9 =	vld [tilespmem:s24+$0x5A80]  }
0xb0: {  	v10 =	vld [tilespmem:s24+$0x5A90]  }
.Ltmp1:
0xb1: {  	v11 =	vld [tilespmem:s24+$0x5AA0];
	(pc) =	sbr.rel @p0 .LBB2_5-.Ltmp1, $4  }
0xb2: {  	v12 =	vld [tilespmem:s24+$0x5AB0]  }
0xb3: {  	v13 =	vld [tilespmem:s24+$0x5AC0]  }
0xb4: {  	v14 =	vld [tilespmem:s24+$0x5AD0]  }
0xb5: {  	s23 =	sadd.s32 $0x500, s23;
	v15 =	vld [tilespmem:s24+$0x5AE0]  }
0xb6: {  	v16 =	vld [tilespmem:s24+$0x5AF0];
	_ =	sdelay $0x1  }
0xb7: {  	v17 =	vld [tilespmem:s24+$0x5B10];
	v1 =	vadd.f32 v1, v2;
	v53 =	vadd.f32 v5, v3  }
0xb8: {  	v18 =	vld [tilespmem:s24+$0x5B20];
	v4 =	vadd.f32 v6, v4;
	v55 =	vadd.f32 v8, v7  }
0xb9: {  	v54 =	vld [tilespmem:s24+$0x5B30];
	v56 =	vadd.f32 v10, v9;
	v57 =	vadd.f32 v12, v11  }
0xba: {  	v58 =	vadd.f32 v14, v13;
	v59 =	vadd.f32 v16, v15  }
0xbb: {  	v1 =	vadd.f32 v53, v1;
	v60 =	vadd.f32 v55, v4  }
0xbc: {  	v61 =	vadd.f32 v57, v56;
	v62 =	vadd.f32 v59, v58  }
0xbd: {  	v1 =	vadd.f32 v60, v1;
	v0 =	vadd.f32 v17, v0  }
0xbe: {  	v3 =	vadd.f32 v54, v18;
	v63 =	vadd.f32 v62, v61;
	_ =	sdelay $0x1  }
0xbf: {  	s21 =	sadd.s32 $0x1, s21;
	v0 =	vadd.f32 v3, v0;
	v1 =	vadd.f32 v63, v1  }
0xc0: {  	p0 =	sne.s32 s21, $0xD  }
.Ltmp2:
0xc1: {  	v0 =	vadd.f32 v0, v1;
	(pc) =	sbr.rel @p0 .LBB2_2-.Ltmp2, $4  }
0xc2: {  	_ = 	snop  }
0xc3: {  	v0 =	vmul.f32 $5.000000070e-02, v0  }
0xc4: {  	s22 =	sadd.s32 $0xD0, s22  }
0xc5: {  	s20 =	sadd.s32 $0x10, s20;
	s19 =	sadd.s32 $0x10, s19;
	[tilespmem:s22+$0x0] =	vst v0  }
0xc6: {  	s18 =	sadd.s32 $0x1, s18  }
0xc7: {  	p0 =	sne.s32 s18, s10  }
.Ltmp3:
0xc8: {  	_ = 	snop;
	(pc) =	sbr.rel @p0 .LBB2_1-.Ltmp3, $4  }
0xc9: {  	[hbm4b:s9+s2] =	stream.linear.scatter [tilespmem:s17], [sflag:$0x5], $0x6800, $0x38;
	[tilespmem:$0x11200] =	vst v63  }
0xca: {  	_ =	swait.ge [sflag:s11], $0x6800  }
0xcb: {  	[sflag:s11] =	ssyncset.done $0x0  }
0xcc: {  	[sflag:s11] =	ssyncadd.s32 $0xFFFF9800  }
0xcd: {  	_ =	sfence.sel $0x180000  }
0xce: {  	[bflag:$0x0] =	sbarrier.arrive $0xFFFF  }
0xcf: {  	p0 =	sne.s32 s0, $0x0;
	_ =	strace $0x90000047  }
0xd0: {  	s0 =	sadd.s32 @!p0 $0x100000, s1;
	[bflag:$0x2] =	sbarrier.arrive $0xFFFF  }
0xd1: {  	[sflag:s0] =	ssyncadd.tile.s32 @!p0 $0x1;
	_ =	shalt  }
.Lfunc_end2:
_tile_overlayer_lowered:
.L_overlay_start_2:
0xd2: {  	(tag) =	ssettag $0x2  }
0xd3: {  	s0 =	rddreg [dreg:$0x0];
	s2 =	stileid.u32  }
0xd4: {  	s1 =	rddreg [dreg:$0x1];
	p0 =	sne.s32 s2, $0x0  }
0xd5: {  	s3 =	rddreg [dreg:$0x2];
	[bflag:$0x3] =	sbarrier.arrive $0xFFFF;
	s2 =	simm.s32 @!p0 $0x1C05  }
0xd6: {  	[timem:s3], [sflag:s2] =	dma.local @!p0 [hbm:s0], s1  }
0xd7: {  	s0 =	simm.s32 @!p0 $0x5  }
0xd8: {  	_ =	swait.ge @!p0 [sflag:s0], s1  }
0xd9: {  	s1 =	ssub.s32 @!p0 $0x0, s1;
	[sflag:s0] =	ssyncset.done @!p0 $0x0  }
0xda: {  	[sflag:s0] =	ssyncadd.s32 @!p0 s1  }
0xdb: {  	[bflag:$0x3] =	sbarrier.arrive $0xFFFF  }
0xdc: {  	_ =	shalt  }

</sc_bundles>
